<compile_context>
chip_gen: v7x
topology: tpu7x:2x2x1
jax: 0.10.2.dev20260603
libtpu: 0.0.44.dev20260713+nightly
codegen_flags: <defaults>
</compile_context>

<pallas_src>
import functools

import jax
import jax.numpy as jnp
from jax import lax
from jax.experimental import pallas as pl
from jax.experimental.pallas import tpu as pltpu
from jax.experimental.pallas import tpu_sc as plsc

F = 26
V = 100000
D = 32
B = 16384

NC = 2
NS = 16
NW = NC * NS
L = 16
ICH = 4096
NICH = B // ICH


@functools.partial(
    pl.kernel,
    mesh=plsc.VectorSubcoreMesh(core_axis_name="c", subcore_axis_name="s"),
    out_type=jax.ShapeDtypeStruct((D, B), jnp.float32),
    scratch_types=[
        pltpu.VMEM((V,), jnp.float32),
        pltpu.VMEM((B,), jnp.float32),
        pltpu.VMEM((ICH,), jnp.int32),
        pltpu.VMEM((ICH,), jnp.int32),
        pltpu.SemaphoreType.DMA,
        pltpu.SemaphoreType.DMA,
        pltpu.SemaphoreType.DMA,
    ],
    compiler_params=pltpu.CompilerParams(needs_layout_passes=False),
)
def _emb_lookup_sum(tabfd, idxT, outT, row, acc, ib0, ib1, semr, semi0, semi1):
    d = lax.axis_index("c") * NS + lax.axis_index("s")

    @plsc.parallel_loop(0, B // L, unroll=8)
    def _(i):
        acc[pl.ds(i * L, L)] = jnp.zeros((L,), jnp.float32)

    ibs = (ib0, ib1)
    semis = (semi0, semi1)

    pltpu.async_copy(idxT.at[0, pl.ds(0, ICH)], ib0, semi0)

    def field(f, _):
        pltpu.async_copy(tabfd.at[f * D + d], row, semr).wait()

        for c in range(NICH):
            p = c % 2
            q = 1 - p
            pltpu.make_async_copy(
                idxT.at[f, pl.ds(0, ICH)], ibs[p], semis[p]).wait()
            if c + 1 < NICH:
                pltpu.async_copy(
                    idxT.at[f, pl.ds((c + 1) * ICH, ICH)], ibs[q], semis[q])
            else:
                @pl.when(f + 1 < F)
                def _(f=f, q=q):
                    pltpu.async_copy(
                        idxT.at[f + 1, pl.ds(0, ICH)], ibs[q], semis[q])
            ib = ibs[p]
            base = c * ICH

            @plsc.parallel_loop(0, ICH // L, unroll=16)
            def _(r, ib=ib, base=base):
                iv = ib[pl.ds(r * L, L)]
                g = plsc.load_gather(row, [iv])
                plsc.addupdate(acc.at[pl.ds(base + r * L, L)], g)
        return 0

    lax.fori_loop(0, F, field, 0)
    pltpu.sync_copy(acc, outT.at[d])


def kernel(x, tables):
    x = x.astype(jnp.int32)
    xT = x.T
    tabfd = tables.transpose(0, 2, 1).reshape(F * D, V)
    outT = _emb_lookup_sum(tabfd, xT)
    return outT.T

# --- scband reference (transcript-rebuilt; emitter-appended) ---
"""Pipeline reference for scband-discrete-embedding-3590592660011 (READ-ONLY COPY).

The authoritative reference and input builder live on the scoring server;
editing this copy changes nothing except your own understanding.
"""

import jax, jax.numpy as jnp
import numpy as np

NUM_FIELDS = 26
VOCAB = 100000
D_MODEL = 32
BATCH = 16384

def setup_inputs(seed: int = 0) -> dict:
    key = jax.random.key(seed)
    k1, k2 = jax.random.split(key)
    x = jax.random.randint(k1, (BATCH, NUM_FIELDS), 0, VOCAB, dtype=jnp.int64 if jax.config.jax_enable_x64 else jnp.int32)
    # xavier_uniform bound for (VOCAB, D_MODEL): sqrt(6/(fan_in+fan_out))
    bound = np.sqrt(6.0 / (VOCAB + D_MODEL))
    tables = jax.random.uniform(k2, (NUM_FIELDS, VOCAB, D_MODEL), dtype=jnp.float32, minval=-bound, maxval=bound)
    return {"x": x, "tables": tables}

def reference(x, tables):
    # Faithful to DiscreteEmbedding.forward: per-field embedding lookup, stack, sum over fields.
    # tables: (F, V, D); x: (B, F)
    field_idx = jnp.arange(NUM_FIELDS)[:, None]          # (F, 1)
    gathered = tables[field_idx, x.T]                    # (F, B, D) == stack of per-field lookups
    return jnp.sum(gathered, axis=0)                     # (B, D)

if __name__ == "__main__":
    import jax
    _d = setup_inputs()
    print(jax.jit(kernel)(*tuple(_d.values())))

</pallas_src>

<mosaic_0001>
#map = affine_map<(d0, d1) -> (0, 0)>
module attributes {stable_mosaic.version = 14 : i64} {
  func.func @_emb_lookup_sum(%arg0: i32, %arg1: i32, %arg2: memref<832x100000xf32, #tpu.memory_space<hbm>>, %arg3: memref<26x16384xi32, #tpu.memory_space<hbm>>, %arg4: memref<32x16384xf32, #tpu.memory_space<hbm>>, %arg5: memref<100000xf32, #tpu.memory_space<vmem>>, %arg6: memref<16384xf32, #tpu.memory_space<vmem>>, %arg7: memref<4096xi32, #tpu.memory_space<vmem>>, %arg8: memref<4096xi32, #tpu.memory_space<vmem>>, %arg9: memref<!tpu.dma_semaphore, #tpu.memory_space<semaphore_mem>>, %arg10: memref<!tpu.dma_semaphore, #tpu.memory_space<semaphore_mem>>, %arg11: memref<!tpu.dma_semaphore, #tpu.memory_space<semaphore_mem>>) attributes {dimension_semantics = [#tpu.dimension_semantics<core_parallel>, #tpu.dimension_semantics<subcore_parallel>], iteration_bounds = array<i64: 2, 16>, scalar_prefetch = 0 : i64, scratch_operands = 7 : i64, tpu.core_type = #tpu.core_type<sc_vector_subcore>, window_params = [{transform_indices = #map}, {transform_indices = #map}, {transform_indices = #map}]} {
    %mul3A = arith.constant 16 : i32
    %mul3A_0 = arith.muli %arg0, %mul3A : i32
    %add3A = arith.addi %mul3A_0, %arg1 : i32
    %parallel_loop3A = arith.constant 0 : i32
    %parallel_loop3A_1 = arith.constant 1024 : i32
    %parallel_loop3A_2 = arith.constant 1 : i32
    scf.for %parallel_loop3A_15 = %parallel_loop3A to %parallel_loop3A_1 step %parallel_loop3A_2  : i32 {
      %parallel_loop3A_16 = arith.constant 0.000000e+00 : f32
      %parallel_loop3A_17 = vector.broadcast %parallel_loop3A_16 : f32 to vector<16xf32>
      %parallel_loop3A_18 = arith.constant 16 : i32
      %parallel_loop3A_19 = arith.muli %parallel_loop3A_15, %parallel_loop3A_18 : i32
      %parallel_loop3A_20 = arith.index_cast %parallel_loop3A_19 : i32 to index
      %parallel_loop3A_21 = tpu.vector_load %arg6[%parallel_loop3A_20] {strides = array<i32>} : memref<16384xf32, #tpu.memory_space<vmem>>, vector<16xf32>,
      tpu.vector_store %arg6[%parallel_loop3A_20], %parallel_loop3A_17 {strides = array<i32>} : memref<16384xf32, #tpu.memory_space<vmem>>, vector<16xf32>,
    } {sc.loop_unroll_factor = 8 : i64, sc.parallel_access}
    %dma_start3A = arith.constant 0 : i32
    %dma_start3A_3 = arith.constant 0 : i32
    %dma_start3A_4 = tpu.memref_slice %arg3[%dma_start3A, %dma_start3A_3] : memref<26x16384xi32, #tpu.memory_space<hbm>> -> memref<1x4096xi32, #tpu.memory_space<hbm>>
    %dma_start3A_5 = tpu.memref_squeeze %dma_start3A_4 : memref<1x4096xi32, #tpu.memory_space<hbm>> -> memref<4096xi32, #tpu.memory_space<hbm>>
    %dma_start3A_6 = arith.constant 0 : i32
    %dma_start3A_7 = tpu.memref_slice %arg3[%dma_start3A, %dma_start3A_6] : memref<26x16384xi32, #tpu.memory_space<hbm>> -> memref<1x4096xi32, #tpu.memory_space<hbm>>
    %dma_start3A_8 = tpu.memref_squeeze %dma_start3A_7 : memref<1x4096xi32, #tpu.memory_space<hbm>> -> memref<4096xi32, #tpu.memory_space<hbm>>
    tpu.enqueue_dma source(%dma_start3A_8 : memref<4096xi32, #tpu.memory_space<hbm>>) target(%arg7 : memref<4096xi32, #tpu.memory_space<vmem>>) target_semaphore(%arg10 : memref<!tpu.dma_semaphore, #tpu.memory_space<semaphore_mem>>)
    %scan3A = arith.constant 0 : i32
    %scan3A_9 = arith.constant 0 : i32
    %scan3A_10 = arith.constant 26 : i32
    %scan3A_11 = arith.addi %scan3A_9, %scan3A_10 : i32
    %scan3A_12 = arith.constant 1 : i32
    %scan3A_13 = scf.for %scan3A_15 = %scan3A_9 to %scan3A_11 step %scan3A_12 iter_args(%scan3A_16 = %scan3A) -> (i32)  : i32 {
      %mul3A_17 = arith.constant 32 : i32
      %mul3A_18 = arith.muli %scan3A_15, %mul3A_17 : i32
      %add3A_19 = arith.addi %mul3A_18, %add3A : i32
      %dma_start3A_20 = arith.constant 0 : i32
      %dma_start3A_21 = tpu.memref_slice %arg2[%add3A_19, %dma_start3A_20] : memref<832x100000xf32, #tpu.memory_space<hbm>> -> memref<1x100000xf32, #tpu.memory_space<hbm>>
      %dma_start3A_22 = tpu.memref_squeeze %dma_start3A_21 : memref<1x100000xf32, #tpu.memory_space<hbm>> -> memref<100000xf32, #tpu.memory_space<hbm>>
      %dma_start3A_23 = arith.constant 0 : i32
      %dma_start3A_24 = tpu.memref_slice %arg2[%add3A_19, %dma_start3A_23] : memref<832x100000xf32, #tpu.memory_space<hbm>> -> memref<1x100000xf32, #tpu.memory_space<hbm>>
      %dma_start3A_25 = tpu.memref_squeeze %dma_start3A_24 : memref<1x100000xf32, #tpu.memory_space<hbm>> -> memref<100000xf32, #tpu.memory_space<hbm>>
      tpu.enqueue_dma source(%dma_start3A_25 : memref<100000xf32, #tpu.memory_space<hbm>>) target(%arg5 : memref<100000xf32, #tpu.memory_space<vmem>>) target_semaphore(%arg9 : memref<!tpu.dma_semaphore, #tpu.memory_space<semaphore_mem>>)
      %dma_wait3A = arith.constant 0 : i32
      %dma_wait3A_26 = tpu.memref_slice %arg2[%add3A_19, %dma_wait3A] : memref<832x100000xf32, #tpu.memory_space<hbm>> -> memref<1x100000xf32, #tpu.memory_space<hbm>>
      %dma_wait3A_27 = tpu.memref_squeeze %dma_wait3A_26 : memref<1x100000xf32, #tpu.memory_space<hbm>> -> memref<100000xf32, #tpu.memory_space<hbm>>
      %dma_wait3A_28 = arith.constant 0 : i32
      %dma_wait3A_29 = tpu.memref_slice %arg2[%add3A_19, %dma_wait3A_28] : memref<832x100000xf32, #tpu.memory_space<hbm>> -> memref<1x100000xf32, #tpu.memory_space<hbm>>
      %dma_wait3A_30 = tpu.memref_squeeze %dma_wait3A_29 : memref<1x100000xf32, #tpu.memory_space<hbm>> -> memref<100000xf32, #tpu.memory_space<hbm>>
      tpu.wait_dma2 semaphore(%arg9 : memref<!tpu.dma_semaphore, #tpu.memory_space<semaphore_mem>>) src(%dma_wait3A_30 : memref<100000xf32, #tpu.memory_space<hbm>>) dst(%arg5 : memref<100000xf32, #tpu.memory_space<vmem>>)
      %dma_wait3A_31 = arith.constant 0 : i32
      %dma_wait3A_32 = tpu.memref_slice %arg3[%scan3A_15, %dma_wait3A_31] : memref<26x16384xi32, #tpu.memory_space<hbm>> -> memref<1x4096xi32, #tpu.memory_space<hbm>>
      %dma_wait3A_33 = tpu.memref_squeeze %dma_wait3A_32 : memref<1x4096xi32, #tpu.memory_space<hbm>> -> memref<4096xi32, #tpu.memory_space<hbm>>
      %dma_wait3A_34 = arith.constant 0 : i32
      %dma_wait3A_35 = tpu.memref_slice %arg3[%scan3A_15, %dma_wait3A_34] : memref<26x16384xi32, #tpu.memory_space<hbm>> -> memref<1x4096xi32, #tpu.memory_space<hbm>>
      %dma_wait3A_36 = tpu.memref_squeeze %dma_wait3A_35 : memref<1x4096xi32, #tpu.memory_space<hbm>> -> memref<4096xi32, #tpu.memory_space<hbm>>
      tpu.wait_dma2 semaphore(%arg10 : memref<!tpu.dma_semaphore, #tpu.memory_space<semaphore_mem>>) src(%dma_wait3A_36 : memref<4096xi32, #tpu.memory_space<hbm>>) dst(%arg7 : memref<4096xi32, #tpu.memory_space<vmem>>)
      %dma_start3A_37 = arith.constant 4096 : i32
      %dma_start3A_38 = tpu.memref_slice %arg3[%scan3A_15, %dma_start3A_37] : memref<26x16384xi32, #tpu.memory_space<hbm>> -> memref<1x4096xi32, #tpu.memory_space<hbm>>
      %dma_start3A_39 = tpu.memref_squeeze %dma_start3A_38 : memref<1x4096xi32, #tpu.memory_space<hbm>> -> memref<4096xi32, #tpu.memory_space<hbm>>
      %dma_start3A_40 = arith.constant 4096 : i32
      %dma_start3A_41 = tpu.memref_slice %arg3[%scan3A_15, %dma_start3A_40] : memref<26x16384xi32, #tpu.memory_space<hbm>> -> memref<1x4096xi32, #tpu.memory_space<hbm>>
      %dma_start3A_42 = tpu.memref_squeeze %dma_start3A_41 : memref<1x4096xi32, #tpu.memory_space<hbm>> -> memref<4096xi32, #tpu.memory_space<hbm>>
      tpu.enqueue_dma source(%dma_start3A_42 : memref<4096xi32, #tpu.memory_space<hbm>>) target(%arg8 : memref<4096xi32, #tpu.memory_space<vmem>>) target_semaphore(%arg11 : memref<!tpu.dma_semaphore, #tpu.memory_space<semaphore_mem>>)
      %parallel_loop3A_43 = arith.constant 0 : i32
      %parallel_loop3A_44 = arith.constant 256 : i32
      %parallel_loop3A_45 = arith.constant 1 : i32
      scf.for %parallel_loop3A_90 = %parallel_loop3A_43 to %parallel_loop3A_44 step %parallel_loop3A_45  : i32 {
        %parallel_loop3A_91 = arith.constant 16 : i32
        %parallel_loop3A_92 = arith.muli %parallel_loop3A_90, %parallel_loop3A_91 : i32
        %parallel_loop3A_93 = arith.index_cast %parallel_loop3A_92 : i32 to index
        %parallel_loop3A_94 = tpu.vector_load %arg7[%parallel_loop3A_93] {strides = array<i32>} : memref<4096xi32, #tpu.memory_space<vmem>>, vector<16xi32>,
        %parallel_loop3A_95 = tpu.vector_load_idx %arg5[%parallel_loop3A_94] : memref<100000xf32, #tpu.memory_space<vmem>>[vector<16xi32>], vector<16xf32>,
        %parallel_loop3A_96 = arith.constant 16 : i32
        %parallel_loop3A_97 = arith.muli %parallel_loop3A_90, %parallel_loop3A_96 : i32
        %parallel_loop3A_98 = arith.constant 0 : i32
        %parallel_loop3A_99 = arith.addi %parallel_loop3A_98, %parallel_loop3A_97 : i32
        %parallel_loop3A_100 = arith.index_cast %parallel_loop3A_99 : i32 to index
        %parallel_loop3A_101 = tpu.vector_load %arg6[%parallel_loop3A_100] {strides = array<i32>} : memref<16384xf32, #tpu.memory_space<vmem>>, vector<16xf32>,
        tpu.vector_store %arg6[%parallel_loop3A_100], %parallel_loop3A_95 {add = true, strides = array<i32>} : memref<16384xf32, #tpu.memory_space<vmem>>, vector<16xf32>,
      } {sc.loop_unroll_factor = 16 : i64, sc.parallel_access}
      %dma_wait3A_46 = arith.constant 0 : i32
      %dma_wait3A_47 = tpu.memref_slice %arg3[%scan3A_15, %dma_wait3A_46] : memref<26x16384xi32, #tpu.memory_space<hbm>> -> memref<1x4096xi32, #tpu.memory_space<hbm>>
      %dma_wait3A_48 = tpu.memref_squeeze %dma_wait3A_47 : memref<1x4096xi32, #tpu.memory_space<hbm>> -> memref<4096xi32, #tpu.memory_space<hbm>>
      %dma_wait3A_49 = arith.constant 0 : i32
      %dma_wait3A_50 = tpu.memref_slice %arg3[%scan3A_15, %dma_wait3A_49] : memref<26x16384xi32, #tpu.memory_space<hbm>> -> memref<1x4096xi32, #tpu.memory_space<hbm>>
      %dma_wait3A_51 = tpu.memref_squeeze %dma_wait3A_50 : memref<1x4096xi32, #tpu.memory_space<hbm>> -> memref<4096xi32, #tpu.memory_space<hbm>>
      tpu.wait_dma2 semaphore(%arg11 : memref<!tpu.dma_semaphore, #tpu.memory_space<semaphore_mem>>) src(%dma_wait3A_51 : memref<4096xi32, #tpu.memory_space<hbm>>) dst(%arg8 : memref<4096xi32, #tpu.memory_space<vmem>>)
      %dma_start3A_52 = arith.constant 8192 : i32
      %dma_start3A_53 = tpu.memref_slice %arg3[%scan3A_15, %dma_start3A_52] : memref<26x16384xi32, #tpu.memory_space<hbm>> -> memref<1x4096xi32, #tpu.memory_space<hbm>>
      %dma_start3A_54 = tpu.memref_squeeze %dma_start3A_53 : memref<1x4096xi32, #tpu.memory_space<hbm>> -> memref<4096xi32, #tpu.memory_space<hbm>>
      %dma_start3A_55 = arith.constant 8192 : i32
      %dma_start3A_56 = tpu.memref_slice %arg3[%scan3A_15, %dma_start3A_55] : memref<26x16384xi32, #tpu.memory_space<hbm>> -> memref<1x4096xi32, #tpu.memory_space<hbm>>
      %dma_start3A_57 = tpu.memref_squeeze %dma_start3A_56 : memref<1x4096xi32, #tpu.memory_space<hbm>> -> memref<4096xi32, #tpu.memory_space<hbm>>
      tpu.enqueue_dma source(%dma_start3A_57 : memref<4096xi32, #tpu.memory_space<hbm>>) target(%arg7 : memref<4096xi32, #tpu.memory_space<vmem>>) target_semaphore(%arg10 : memref<!tpu.dma_semaphore, #tpu.memory_space<semaphore_mem>>)
      %parallel_loop3A_58 = arith.constant 0 : i32
      %parallel_loop3A_59 = arith.constant 256 : i32
      %parallel_loop3A_60 = arith.constant 1 : i32
      scf.for %parallel_loop3A_90 = %parallel_loop3A_58 to %parallel_loop3A_59 step %parallel_loop3A_60  : i32 {
        %parallel_loop3A_91 = arith.constant 16 : i32
        %parallel_loop3A_92 = arith.muli %parallel_loop3A_90, %parallel_loop3A_91 : i32
        %parallel_loop3A_93 = arith.index_cast %parallel_loop3A_92 : i32 to index
        %parallel_loop3A_94 = tpu.vector_load %arg8[%parallel_loop3A_93] {strides = array<i32>} : memref<4096xi32, #tpu.memory_space<vmem>>, vector<16xi32>,
        %parallel_loop3A_95 = tpu.vector_load_idx %arg5[%parallel_loop3A_94] : memref<100000xf32, #tpu.memory_space<vmem>>[vector<16xi32>], vector<16xf32>,
        %parallel_loop3A_96 = arith.constant 16 : i32
        %parallel_loop3A_97 = arith.muli %parallel_loop3A_90, %parallel_loop3A_96 : i32
        %parallel_loop3A_98 = arith.constant 4096 : i32
        %parallel_loop3A_99 = arith.addi %parallel_loop3A_98, %parallel_loop3A_97 : i32
        %parallel_loop3A_100 = arith.index_cast %parallel_loop3A_99 : i32 to index
        %parallel_loop3A_101 = tpu.vector_load %arg6[%parallel_loop3A_100] {strides = array<i32>} : memref<16384xf32, #tpu.memory_space<vmem>>, vector<16xf32>,
        tpu.vector_store %arg6[%parallel_loop3A_100], %parallel_loop3A_95 {add = true, strides = array<i32>} : memref<16384xf32, #tpu.memory_space<vmem>>, vector<16xf32>,
      } {sc.loop_unroll_factor = 16 : i64, sc.parallel_access}
      %dma_wait3A_61 = arith.constant 0 : i32
      %dma_wait3A_62 = tpu.memref_slice %arg3[%scan3A_15, %dma_wait3A_61] : memref<26x16384xi32, #tpu.memory_space<hbm>> -> memref<1x4096xi32, #tpu.memory_space<hbm>>
      %dma_wait3A_63 = tpu.memref_squeeze %dma_wait3A_62 : memref<1x4096xi32, #tpu.memory_space<hbm>> -> memref<4096xi32, #tpu.memory_space<hbm>>
      %dma_wait3A_64 = arith.constant 0 : i32
      %dma_wait3A_65 = tpu.memref_slice %arg3[%scan3A_15, %dma_wait3A_64] : memref<26x16384xi32, #tpu.memory_space<hbm>> -> memref<1x4096xi32, #tpu.memory_space<hbm>>
      %dma_wait3A_66 = tpu.memref_squeeze %dma_wait3A_65 : memref<1x4096xi32, #tpu.memory_space<hbm>> -> memref<4096xi32, #tpu.memory_space<hbm>>
      tpu.wait_dma2 semaphore(%arg10 : memref<!tpu.dma_semaphore, #tpu.memory_space<semaphore_mem>>) src(%dma_wait3A_66 : memref<4096xi32, #tpu.memory_space<hbm>>) dst(%arg7 : memref<4096xi32, #tpu.memory_space<vmem>>)
      %dma_start3A_67 = arith.constant 12288 : i32
      %dma_start3A_68 = tpu.memref_slice %arg3[%scan3A_15, %dma_start3A_67] : memref<26x16384xi32, #tpu.memory_space<hbm>> -> memref<1x4096xi32, #tpu.memory_space<hbm>>
      %dma_start3A_69 = tpu.memref_squeeze %dma_start3A_68 : memref<1x4096xi32, #tpu.memory_space<hbm>> -> memref<4096xi32, #tpu.memory_space<hbm>>
      %dma_start3A_70 = arith.constant 12288 : i32
      %dma_start3A_71 = tpu.memref_slice %arg3[%scan3A_15, %dma_start3A_70] : memref<26x16384xi32, #tpu.memory_space<hbm>> -> memref<1x4096xi32, #tpu.memory_space<hbm>>
      %dma_start3A_72 = tpu.memref_squeeze %dma_start3A_71 : memref<1x4096xi32, #tpu.memory_space<hbm>> -> memref<4096xi32, #tpu.memory_space<hbm>>
      tpu.enqueue_dma source(%dma_start3A_72 : memref<4096xi32, #tpu.memory_space<hbm>>) target(%arg8 : memref<4096xi32, #tpu.memory_space<vmem>>) target_semaphore(%arg11 : memref<!tpu.dma_semaphore, #tpu.memory_space<semaphore_mem>>)
      %parallel_loop3A_73 = arith.constant 0 : i32
      %parallel_loop3A_74 = arith.constant 256 : i32
      %parallel_loop3A_75 = arith.constant 1 : i32
      scf.for %parallel_loop3A_90 = %parallel_loop3A_73 to %parallel_loop3A_74 step %parallel_loop3A_75  : i32 {
        %parallel_loop3A_91 = arith.constant 16 : i32
        %parallel_loop3A_92 = arith.muli %parallel_loop3A_90, %parallel_loop3A_91 : i32
        %parallel_loop3A_93 = arith.index_cast %parallel_loop3A_92 : i32 to index
        %parallel_loop3A_94 = tpu.vector_load %arg7[%parallel_loop3A_93] {strides = array<i32>} : memref<4096xi32, #tpu.memory_space<vmem>>, vector<16xi32>,
        %parallel_loop3A_95 = tpu.vector_load_idx %arg5[%parallel_loop3A_94] : memref<100000xf32, #tpu.memory_space<vmem>>[vector<16xi32>], vector<16xf32>,
        %parallel_loop3A_96 = arith.constant 16 : i32
        %parallel_loop3A_97 = arith.muli %parallel_loop3A_90, %parallel_loop3A_96 : i32
        %parallel_loop3A_98 = arith.constant 8192 : i32
        %parallel_loop3A_99 = arith.addi %parallel_loop3A_98, %parallel_loop3A_97 : i32
        %parallel_loop3A_100 = arith.index_cast %parallel_loop3A_99 : i32 to index
        %parallel_loop3A_101 = tpu.vector_load %arg6[%parallel_loop3A_100] {strides = array<i32>} : memref<16384xf32, #tpu.memory_space<vmem>>, vector<16xf32>,
        tpu.vector_store %arg6[%parallel_loop3A_100], %parallel_loop3A_95 {add = true, strides = array<i32>} : memref<16384xf32, #tpu.memory_space<vmem>>, vector<16xf32>,
      } {sc.loop_unroll_factor = 16 : i64, sc.parallel_access}
      %dma_wait3A_76 = arith.constant 0 : i32
      %dma_wait3A_77 = tpu.memref_slice %arg3[%scan3A_15, %dma_wait3A_76] : memref<26x16384xi32, #tpu.memory_space<hbm>> -> memref<1x4096xi32, #tpu.memory_space<hbm>>
      %dma_wait3A_78 = tpu.memref_squeeze %dma_wait3A_77 : memref<1x4096xi32, #tpu.memory_space<hbm>> -> memref<4096xi32, #tpu.memory_space<hbm>>
      %dma_wait3A_79 = arith.constant 0 : i32
      %dma_wait3A_80 = tpu.memref_slice %arg3[%scan3A_15, %dma_wait3A_79] : memref<26x16384xi32, #tpu.memory_space<hbm>> -> memref<1x4096xi32, #tpu.memory_space<hbm>>
      %dma_wait3A_81 = tpu.memref_squeeze %dma_wait3A_80 : memref<1x4096xi32, #tpu.memory_space<hbm>> -> memref<4096xi32, #tpu.memory_space<hbm>>
      tpu.wait_dma2 semaphore(%arg11 : memref<!tpu.dma_semaphore, #tpu.memory_space<semaphore_mem>>) src(%dma_wait3A_81 : memref<4096xi32, #tpu.memory_space<hbm>>) dst(%arg8 : memref<4096xi32, #tpu.memory_space<vmem>>)
      %add3A_82 = arith.constant 1 : i32
      %add3A_83 = arith.addi %scan3A_15, %add3A_82 : i32
      %lt3A = arith.constant 26 : i32
      %lt3A_84 = arith.cmpi slt, %add3A_83, %lt3A : i32
      %convert_element_type3A = arith.extui %lt3A_84 : i1 to i32
      %cond3A = arith.constant 0 : i32
      %cond3A_85 = arith.cmpi ne, %convert_element_type3A, %cond3A : i32
      scf.if %cond3A_85 {
        %add3A_90 = arith.constant 1 : i32
        %add3A_91 = arith.addi %scan3A_15, %add3A_90 : i32
        %dma_start3A_92 = arith.constant 0 : i32
        %dma_start3A_93 = tpu.memref_slice %arg3[%add3A_91, %dma_start3A_92] : memref<26x16384xi32, #tpu.memory_space<hbm>> -> memref<1x4096xi32, #tpu.memory_space<hbm>>
        %dma_start3A_94 = tpu.memref_squeeze %dma_start3A_93 : memref<1x4096xi32, #tpu.memory_space<hbm>> -> memref<4096xi32, #tpu.memory_space<hbm>>
        %dma_start3A_95 = arith.constant 0 : i32
        %dma_start3A_96 = tpu.memref_slice %arg3[%add3A_91, %dma_start3A_95] : memref<26x16384xi32, #tpu.memory_space<hbm>> -> memref<1x4096xi32, #tpu.memory_space<hbm>>
        %dma_start3A_97 = tpu.memref_squeeze %dma_start3A_96 : memref<1x4096xi32, #tpu.memory_space<hbm>> -> memref<4096xi32, #tpu.memory_space<hbm>>
        tpu.enqueue_dma source(%dma_start3A_97 : memref<4096xi32, #tpu.memory_space<hbm>>) target(%arg7 : memref<4096xi32, #tpu.memory_space<vmem>>) target_semaphore(%arg10 : memref<!tpu.dma_semaphore, #tpu.memory_space<semaphore_mem>>)
      } else {
      }
      %parallel_loop3A_86 = arith.constant 0 : i32
      %parallel_loop3A_87 = arith.constant 256 : i32
      %parallel_loop3A_88 = arith.constant 1 : i32
      scf.for %parallel_loop3A_90 = %parallel_loop3A_86 to %parallel_loop3A_87 step %parallel_loop3A_88  : i32 {
        %parallel_loop3A_91 = arith.constant 16 : i32
        %parallel_loop3A_92 = arith.muli %parallel_loop3A_90, %parallel_loop3A_91 : i32
        %parallel_loop3A_93 = arith.index_cast %parallel_loop3A_92 : i32 to index
        %parallel_loop3A_94 = tpu.vector_load %arg8[%parallel_loop3A_93] {strides = array<i32>} : memref<4096xi32, #tpu.memory_space<vmem>>, vector<16xi32>,
        %parallel_loop3A_95 = tpu.vector_load_idx %arg5[%parallel_loop3A_94] : memref<100000xf32, #tpu.memory_space<vmem>>[vector<16xi32>], vector<16xf32>,
        %parallel_loop3A_96 = arith.constant 16 : i32
        %parallel_loop3A_97 = arith.muli %parallel_loop3A_90, %parallel_loop3A_96 : i32
        %parallel_loop3A_98 = arith.constant 12288 : i32
        %parallel_loop3A_99 = arith.addi %parallel_loop3A_98, %parallel_loop3A_97 : i32
        %parallel_loop3A_100 = arith.index_cast %parallel_loop3A_99 : i32 to index
        %parallel_loop3A_101 = tpu.vector_load %arg6[%parallel_loop3A_100] {strides = array<i32>} : memref<16384xf32, #tpu.memory_space<vmem>>, vector<16xf32>,
        tpu.vector_store %arg6[%parallel_loop3A_100], %parallel_loop3A_95 {add = true, strides = array<i32>} : memref<16384xf32, #tpu.memory_space<vmem>>, vector<16xf32>,
      } {sc.loop_unroll_factor = 16 : i64, sc.parallel_access}
      %scan3A_89 = arith.constant 0 : i32
      scf.yield %scan3A_89 : i32
    }
    %scan3A_14 = arith.constant 26 : i32
    "tpu.region"() ({
      %run_scoped3A = tpu.sem_alloc : memref<!tpu.dma_semaphore, #tpu.memory_space<semaphore_mem>>
      %dma_start3A_15 = arith.constant 0 : i32
      %dma_start3A_16 = tpu.memref_slice %arg4[%add3A, %dma_start3A_15] : memref<32x16384xf32, #tpu.memory_space<hbm>> -> memref<1x16384xf32, #tpu.memory_space<hbm>>
      %dma_start3A_17 = tpu.memref_squeeze %dma_start3A_16 : memref<1x16384xf32, #tpu.memory_space<hbm>> -> memref<16384xf32, #tpu.memory_space<hbm>>
      %dma_start3A_18 = arith.constant 0 : i32
      %dma_start3A_19 = tpu.memref_slice %arg4[%add3A, %dma_start3A_18] : memref<32x16384xf32, #tpu.memory_space<hbm>> -> memref<1x16384xf32, #tpu.memory_space<hbm>>
      %dma_start3A_20 = tpu.memref_squeeze %dma_start3A_19 : memref<1x16384xf32, #tpu.memory_space<hbm>> -> memref<16384xf32, #tpu.memory_space<hbm>>
      tpu.enqueue_dma source(%arg6 : memref<16384xf32, #tpu.memory_space<vmem>>) target(%dma_start3A_20 : memref<16384xf32, #tpu.memory_space<hbm>>) target_semaphore(%run_scoped3A : memref<!tpu.dma_semaphore, #tpu.memory_space<semaphore_mem>>)
      %dma_wait3A = arith.constant 0 : i32
      %dma_wait3A_21 = tpu.memref_slice %arg4[%add3A, %dma_wait3A] : memref<32x16384xf32, #tpu.memory_space<hbm>> -> memref<1x16384xf32, #tpu.memory_space<hbm>>
      %dma_wait3A_22 = tpu.memref_squeeze %dma_wait3A_21 : memref<1x16384xf32, #tpu.memory_space<hbm>> -> memref<16384xf32, #tpu.memory_space<hbm>>
      %dma_wait3A_23 = arith.constant 0 : i32
      %dma_wait3A_24 = tpu.memref_slice %arg4[%add3A, %dma_wait3A_23] : memref<32x16384xf32, #tpu.memory_space<hbm>> -> memref<1x16384xf32, #tpu.memory_space<hbm>>
      %dma_wait3A_25 = tpu.memref_squeeze %dma_wait3A_24 : memref<1x16384xf32, #tpu.memory_space<hbm>> -> memref<16384xf32, #tpu.memory_space<hbm>>
      tpu.wait_dma2 semaphore(%run_scoped3A : memref<!tpu.dma_semaphore, #tpu.memory_space<semaphore_mem>>) src(%arg6 : memref<16384xf32, #tpu.memory_space<vmem>>) dst(%dma_wait3A_25 : memref<16384xf32, #tpu.memory_space<hbm>>)
      tpu.yield
    }) : () -> ()
    return
  }
}

</mosaic_0001>

<sc_bundles>
// kernel: kernel.3.cloned.1.call-start
scs
__scs_entry_jumppad:
0x0: {  	(pc) =	sbr.rel $0x88, $3  }
0x1: {  	(tag) =	ssettag $0x0;
	lr =	simm.s32 $0x1  }
0x2: {  	[smem:$0x3F9F] =	sst lr;
	_ =	strace $0xD0000000  }
0x3: {  	_ = 	snop  }
0x4: {  	_ = 	snop  }
0x5: {  	_ = 	snop  }
0x6: {  	_ = 	snop  }
0x7: {  	_ = 	snop  }
__scs_overlays_trampoline_lowered:
0x8: {  	[smem:$0x3FAE] =	sst s0  }
0x9: {  	[smem:$0x3FAF] =	sst s1  }
0xa: {  	[smem:$0x3FB0] =	sst s2  }
0xb: {  	[smem:$0x3FB1] =	sst s3  }
0xc: {  	[smem:$0x3FB2] =	sst s4  }
0xd: {  	[smem:$0x3FB3] =	sst s5  }
0xe: {  	[smem:$0x3FB4] =	sst s6  }
0xf: {  	[smem:$0x3FB5] =	sst s7  }
0x10: {  	[smem:$0x3FB6] =	sst s8  }
0x11: {  	[smem:$0x3FB7] =	sst s9;
	s0 =	simm.s32 @!p0 $0x0  }
0x12: {  	s1 =	sld [smem:$0x3F9D];
	s0 =	simm.s32 @p0 $0x1  }
0x13: {  	[smem:$0x3FB8] =	sst s0;
	s0 =	simm.s32 @!p1 $0x0  }
0x14: {  	s2 =	sld [smem:$0x3F9C];
	s0 =	simm.s32 @p1 $0x1  }
0x15: {  	[smem:$0x3FB9] =	sst s0;
	s0 =	simm.s32 @!p2 $0x0  }
0x16: {  	s3 =	sld [smem:$0x3FDB];
	s0 =	simm.s32 @p2 $0x1  }
0x17: {  	s4 =	simm.s32 $0x1BF5;
	[smem:$0x3FBB] =	sst s0  }
0x18: {  	s0 =	sld [smem:$0x3F9E];
	_ =	swait.ge [sflag:s4], $0x0  }
0x19: {  	s7 =	sld [smem:$0x3F9F]  }
0x1a: {  	s8 =	sadd.s32 $0xFFFFE003, lr  }
0x1b: {  	s9 =	sadd.s32 $0xFFFFFEF7, lr;
	s5 =	simm.s32 $0xFFFFFFFF;
	p2 =	slt.u32 s8, $0xFFFFF086  }
0x1c: {  	p1 =	slt.u32 s9, $0xF7A;
	s5 =	simm.s32 @!p2 $0x0  }
0x1d: {  	s5 =	simm.s32 @p1 $0x1;
	p0 =	seq.s32 s7, s2  }
0x1e: {  	s7 =	smul.u32 @!p0 $0xF7A, s2;
	p2 =	seq.s32 @!p0 s5, $0x0  }
0x1f: {  	s9 =	smul.u32 $0xF7A, s1;
	s8 =	simm.s32 @!p0 $0x1BF5;
	p2 =	por !p2, p0  }
0x20: {  	[sflag:s8] =	ssyncset.s32 @!p0 $0xFFFFF086;
	s6 =	sadd.s32 @!p0 s3, s7;
	s7 =	simm.s32 @!p0 $0x108  }
0x21: {  	s3 =	sadd.s32 s3, s9;
	s6 =	sadd.s32 @!p0 $0x88, s6;
	s7 =	simm.s32 @p2 $0x1082  }
0x22: {  	[simem:s7], [sflag:s8] =	dma.local @!p0 [hbm:s6], $0xF7A  }
0x23: {  	s9 =	sor.u32 $0xD0000000, s2;
	s6 =	simm.s32 $0x108;
	_ =	swait.ge @!p0 [sflag:s8], $0x0  }
0x24: {  	s3 =	sadd.s32 $0x88, s3;
	s6 =	simm.s32 @!p1 $0x1082;
	[sflag:s4] =	ssyncset.s32 $0xFFFFF086  }
0x25: {  	[simem:s6], [sflag:s4] =	dma.local [hbm:s3], $0xF7A  }
0x26: {  	[smem:$0x3F9F] =	sst s1;
	(tag) =	ssettag s2;
	_ =	strace s9  }
0x27: {  	s1 =	sld [smem:$0x3FAF]  }
0x28: {  	s2 =	sld [smem:$0x3FB0]  }
0x29: {  	s4 =	sld [smem:$0x3FB2]  }
0x2a: {  	p0 =	seq.s32 s5, $0x0;
	s5 =	sld [smem:$0x3FB3]  }
0x2b: {  	s6 =	sld [smem:$0x3FB4]  }
0x2c: {  	s7 =	sld [smem:$0x3FB5]  }
0x2d: {  	s3 =	simm.s32 $0x108;
	s8 =	sld [smem:$0x3FB6]  }
0x2e: {  	s3 =	simm.s32 @!p0 $0x1082;
	s9 =	sld [smem:$0x3FB7]  }
0x2f: {  	lr =	sadd.s32 s0, s3;
	s0 =	sld [smem:$0x3FAE]  }
0x30: {  	s3 =	sld [smem:$0x3FB1]  }
0x31: {  	[smem:$0x3FBA] =	sst s10  }
0x32: {  	s10 =	sld [smem:$0x3FB8];
	_ =	sdelay $0x3  }
0x33: {  	p0 =	seq.s32 s10, $0x1;
	s10 =	sld [smem:$0x3FBA];
	_ =	sdelay $0x3  }
0x34: {  	[smem:$0x3FBA] =	sst s10  }
0x35: {  	s10 =	sld [smem:$0x3FB9];
	_ =	sdelay $0x3  }
0x36: {  	p1 =	seq.s32 s10, $0x1;
	s10 =	sld [smem:$0x3FBA];
	_ =	sdelay $0x3  }
0x37: {  	[smem:$0x3FBA] =	sst s10  }
0x38: {  	s10 =	sld [smem:$0x3FBB]  }
0x39: {  	_ = 	snop;
	(pc) =	sbr.ind lr, $3  }
0x3a: {  	_ = 	snop  }
0x3b: {  	_ = 	snop  }
0x3c: {  	p2 =	seq.s32 s10, $0x1;
	s10 =	sld [smem:$0x3FBA]  }
0x3d: {  	_ =	shalt  }
0x3e: {  	_ =	shalt  }
0x3f: {  	_ =	shalt  }
0x40: {  	_ =	shalt  }
0x41: {  	_ =	shalt  }
0x42: {  	_ =	shalt  }
0x43: {  	_ =	shalt  }
0x44: {  	_ =	shalt  }
0x45: {  	_ =	shalt  }
0x46: {  	_ =	shalt  }
0x47: {  	_ =	shalt  }
0x48: {  	_ =	shalt  }
0x49: {  	_ =	shalt  }
0x4a: {  	_ =	shalt  }
0x4b: {  	_ =	shalt  }
0x4c: {  	_ =	shalt  }
0x4d: {  	_ =	shalt  }
0x4e: {  	_ =	shalt  }
0x4f: {  	_ =	shalt  }
0x50: {  	_ =	shalt  }
0x51: {  	_ =	shalt  }
0x52: {  	_ =	shalt  }
0x53: {  	_ =	shalt  }
0x54: {  	_ =	shalt  }
0x55: {  	_ =	shalt  }
0x56: {  	_ =	shalt  }
0x57: {  	_ =	shalt  }
0x58: {  	_ =	shalt  }
0x59: {  	_ =	shalt  }
0x5a: {  	_ =	shalt  }
0x5b: {  	_ =	shalt  }
0x5c: {  	_ =	shalt  }
0x5d: {  	_ =	shalt  }
0x5e: {  	_ =	shalt  }
0x5f: {  	_ =	shalt  }
0x60: {  	_ =	shalt  }
0x61: {  	_ =	shalt  }
0x62: {  	_ =	shalt  }
0x63: {  	_ =	shalt  }
0x64: {  	_ =	shalt  }
0x65: {  	_ =	shalt  }
0x66: {  	_ =	shalt  }
0x67: {  	_ =	shalt  }
0x68: {  	_ =	shalt  }
0x69: {  	_ =	shalt  }
0x6a: {  	_ =	shalt  }
0x6b: {  	_ =	shalt  }
0x6c: {  	_ =	shalt  }
0x6d: {  	_ =	shalt  }
0x6e: {  	_ =	shalt  }
0x6f: {  	_ =	shalt  }
0x70: {  	_ =	shalt  }
0x71: {  	_ =	shalt  }
0x72: {  	_ =	shalt  }
0x73: {  	_ =	shalt  }
0x74: {  	_ =	shalt  }
0x75: {  	_ =	shalt  }
0x76: {  	_ =	shalt  }
0x77: {  	_ =	shalt  }
0x78: {  	_ =	shalt  }
0x79: {  	_ =	shalt  }
0x7a: {  	_ =	shalt  }
0x7b: {  	_ =	shalt  }
0x7c: {  	_ =	shalt  }
0x7d: {  	_ =	shalt  }
0x7e: {  	_ =	shalt  }
0x7f: {  	_ =	shalt  }
0x80: {  	_ =	shalt  }
0x81: {  	_ =	shalt  }
0x82: {  	_ =	shalt  }
0x83: {  	_ =	shalt  }
0x84: {  	_ =	shalt  }
0x85: {  	_ =	shalt  }
0x86: {  	_ =	shalt  }
0x87: {  	_ =	shalt  }
.Lfunc_end0:
.L_simem_size_0:
called_computation_lowered:
.L_overlay_start_0:
0x88: {  	s2 =	sld [smem:$0x3FD9]  }
0x89: {  	s3 =	sld [smem:$0x3FFE];
	_ =	sdelay $0x1  }
0x8a: {  	s1 =	srdreg.scid  }
0x8b: {  	s0 =	sand.u32 $0x1, s1  }
0x8c: {  	s18 =	sshll.u32 s0, $0xA;
	s2 =	sadd.s32 s3, s2  }
0x8d: {  	s2 =	sadd.s32 s2, s18  }
0x8e: {  	[smem:$0x3FC6] =	sst s2  }
0x8f: {  	_ = 	snop  }
0x90: {  	s2 =	sld [smem:$0x3FC9]  }
0x91: {  	s19 =	sld [smem:$0x3FC8]  }
0x92: {  	s4 =	sld [smem:$0x3FD0];
	(tm) =	ssettm $0x1  }
0x93: {  	s5 =	sld [smem:$0x3FFB];
	_ =	sdelay $0x3  }
0x94: {  	_ =	strace s5  }
0x95: {  	s5 =	sld [smem:$0x3FFC];
	_ =	sdelay $0x3  }
0x96: {  	_ =	strace s5  }
0x97: {  	s5 =	sld [smem:$0x3FFD];
	_ =	sdelay $0x3  }
0x98: {  	_ =	strace s5  }
0x99: {  	_ =	strace $0x8FFFFFFF  }
0x9a: {  	s20 =	sld [smem:$0x3FDB];
	_ =	sdelay $0x1  }
0x9b: {  	s6 =	simm.s32 $_scs_section_size  }
0x9c: {  	s7 =	simm.s32 $_size__tile_overlayer_lowered;
	s8 =	simm.s32 $_tile_overlayer_lowered  }
0x9d: {  	s23 =	simm.s32 $0x1BFF;
	s22 =	sshll.u32 s8, $0x1;
	s5 =	sadd.s32 s6, s20  }
0x9e: {  	s9 =	simm.s32 $0x0;
	s21 =	sshll.u32 s7, $0x1;
	s7 =	sadd.s32 s22, s5  }
0x9f: {  	[timem:s9], [sflag:s23] =	dma.local [hbm:s7], s21  }
0xa0: {  	_ =	swait.ge [sflag:s23], s21  }
0xa1: {  	s6 =	ssub.s32 $0x0, s21;
	[sflag:s23] =	ssyncset.done $0x0  }
0xa2: {  	[sflag:s23] =	ssyncadd.s32 s6;
	_ =	sdelay $0x1  }
0xa3: {  	s24 =	simm.s32 $0x1B8B  }
0xa4: {  	_ =	swait.ge [sflag:s24], $0x1  }
0xa5: {  	[sflag:s24] =	ssyncset.done $0x0  }
0xa6: {  	s25 =	simm.s32 $0x1B8E;
	[sflag:s24] =	ssyncadd.s32 $0xFFFFFFFF  }
0xa7: {  	s26 =	simm.s32 $execute0_lowered;
	[smem:$0x3FD2] =	sst s25  }
0xa8: {  	s6 =	sshll.u32 s26, $0x1;
	_ =	strace $0x80000046;
	[dreg:$0x1] =	wrdreg $0xFFFFFFFF  }
0xa9: {  	s28 =	simm.s32 $_size_execute0_lowered;
	s5 =	sadd.s32 s5, s6;
	[dreg:$0x0] =	wrdreg $0x0  }
0xaa: {  	s6 =	sshll.u32 s28, $0x1;
	[dreg:$0x2] =	wrdreg s5  }
0xab: {  	[dreg:$0x3] =	wrdreg s6  }
0xac: {  	[dreg:$0x4] =	wrdreg $0xC0  }
0xad: {  	_ =	task [dreg:s9], $0x5FFFF  }
0xae: {  	[dreg:$0x1] =	wrdreg $0xFFFFFFFF  }
0xaf: {  	[dreg:$0x0] =	wrdreg $0x60  }
0xb0: {  	[dreg:$0x2] =	wrdreg s19  }
0xb1: {  	[dreg:$0x3] =	wrdreg s2  }
0xb2: {  	[dreg:$0x4] =	wrdreg s4  }
0xb3: {  	[dreg:$0x5] =	wrdreg $0x9  }
0xb4: {  	_ =	task.clear_ibuf [dreg:s9], $0x6FFFF;
	_ =	strace $0x90000046  }
0xb5: {  	s29 =	simm.s32 $0x9;
	_ =	strace $0x80000048  }
0xb6: {  	_ =	swait.ge [sflag:s29], $0x1  }
0xb7: {  	[sflag:s29] =	ssyncadd.s32 $0xFFFFFFFF  }
0xb8: {  	_ =	strace $0x90000048  }
0xb9: {  	_ =	sfence  }
0xba: {  	s30 =	sld [smem:$0x0];
	_ =	sdelay $0x2  }
0xbb: {  	s31 =	sshll.u32 s1, $0xD;
	s1 =	sshrl.u32 s1, $0x2  }
0xbc: {  	s3 =	sand.u32 $0x4000, s31;
	s1 =	sadd.s32 s1, s30  }
0xbd: {  	s0 =	sor.u32 s3, s0;
	s1 =	sshll.u32 s1, $0x11  }
0xbe: {  	s0 =	sor.u32 s1, s0  }
0xbf: {  	s0 =	sadd.s32 $0x8F2B, s0  }
0xc0: {  	[sflag:s0] =	ssyncadd.remote.s32 $0x1  }
0xc1: {  	_ =	sfence.sel $0xFFFF  }
0xc2: {  	[dreg:$0x0] =	wrdreg $0xFFFFFFFF;
	(pc) =	sbr.abs _section_cstart, $3  }
0xc3: {  	[dreg:$0x1] =	wrdreg $0xFFFFFFFF  }
0xc4: {  	_ =	task.clear_ibuf [dreg:s9], $0x2FFFF;
	_ =	strace $0x9FFFFFFF  }
0xc5: {  	(tm) =	ssettm $0x7FFFFFFF  }
tec
execute0_lowered:
.L_overlay_start_1:
0x0: {  	(tag) =	ssettag $0x1  }
0x1: {  	s1 =	rddreg [dreg:$0x0]  }
0x2: {  	s2 =	rddreg [dreg:$0x1]  }
0x3: {  	s10 =	rddreg [dreg:$0x2]  }
0x4: {  	s0 =	rddreg [dreg:$0x3]  }
0x5: {  	s3 =	simm.s32 $0x0;
	s4 =	srdreg.scid;
	s14 =	simm.s32 $0x1C700  }
0x6: {  	s15 =	simm.s32 $0x1;
	s16 =	simm.s32 $0x2;
	s17 =	simm.s32 $0x1D700  }
0x7: {  	s18 =	simm.s32 $0x3;
	s19 =	simm.s32 $0x18700;
	s20 =	simm.s32 $0x4  }
0x8: {  	s21 =	simm.s32 $0x0;
	[smem:$0x7FF] =	sst s3;
	s5 =	sand.u32 $0x1, s4  }
0x9: {  	s4 =	stileid.u32;
	s8 =	sadd.s32 $0x2000, s2;
	_ =	strace $0x80000047  }
0xa: {  	s6 =	ssub.s32 $0x2, s5;
	s5 =	sshll.u32 s5, $0x4;
	s31 =	sshll.u32 s4, $0x7  }
0xb: {  	s9 =	sshll.u32 s4, $0x4;
	s7 =	sshrl.u32 s6, $0x1;
	s5 =	sor.u32 s4, s5  }
0xc: {  	s13 =	sand.u32 $0x70, s9;
	s9 =	sadd.s32 $0x3000, s2;
	s11 =	ssub.s32 s6, s7  }
0xd: {  	s6 =	sand.u32 $0x380, s31;
	s7 =	sadd.s32 $0x1000, s2;
	s12 =	sshll.u32 s5, $0xB  }
0xe: {  	s10 =	sadd.s32 s10, s13;
	s13 =	simm.s32 $0x400;
	s12 =	sand.u32 $0xC000, s12  }
0xf: {  	v0 =	vimm.f32 $0.0e+00;
	s11 =	smax.u32 s11, $0x1;
	s10 =	sadd.s32 s12, s10;
	s12 =	simm.s32 $0x80  }
.LBB2_1:
0x10: {  	s22 =	simm.s32 $0x18740  }
0x11: {  	[tilespmem:s22+$0xFFFFFFC0] =	vst v0  }
0x12: {  	[tilespmem:s22+$0x30] =	vst v0  }
0x13: {  	[tilespmem:s22+$0x20] =	vst v0  }
0x14: {  	[tilespmem:s22+$0x10] =	vst v0  }
0x15: {  	[tilespmem:s22+$0x0] =	vst v0  }
0x16: {  	[tilespmem:s22+$0xFFFFFFF0] =	vst v0  }
0x17: {  	s23 =	simm.s32 $0x0;
	[tilespmem:s22+$0xFFFFFFE0] =	vst v0  }
.LBB2_2:
0x18: {  	s23 =	sadd.s32 $0x8, s23;
	[tilespmem:s22+$0xFFFFFFD0] =	vst v0;
	s22 =	sadd.s32 $0x80, s22  }
0x19: {  	[tilespmem:s22+$0xFFFFFFC0] =	vst v0;
	p0 =	slt.u32 s23, $0x3F8  }
0x1a: {  	[tilespmem:s22+$0x30] =	vst v0  }
.Ltmp0:
0x1b: {  	[tilespmem:s22+$0x20] =	vst v0;
	(pc) =	sbr.rel @p0 .LBB2_2-.Ltmp0, $4  }
0x1c: {  	[tilespmem:s22+$0x10] =	vst v0  }
0x1d: {  	[tilespmem:s22+$0x0] =	vst v0  }
0x1e: {  	[tilespmem:s22+$0xFFFFFFF0] =	vst v0  }
0x1f: {  	[tilespmem:s22+$0xFFFFFFE0] =	vst v0  }
0x20: {  	[tilespmem:s22+$0xFFFFFFD0] =	vst v0;
	s22 =	simm.s32 $0x0;
	s24 =	simm.s32 $0x0  }
0x21: {  	[tilespmem:s14], [sflag:$0x2] =	stream.strided.gather [hbm4b:s2+s12], $0x1000, s13, s12, $0x38;
	[tilespmem:$0x1E700] =	vst v63  }
.LBB2_5:
0x22: {  	s30 =	sshll.u32 s24, $0x5  }
0x23: {  	s23 =	smov.u32 s24;
	s24 =	sor.u32 s5, s30  }
0x24: {  	s24 =	sshrl.u32 s24, $0x3  }
0x25: {  	s24 =	smul.u32 $0xC3800, s24;
	_ =	sdelay $0x1  }
0x26: {  	s24 =	sor.u32 s6, s24  }
0x27: {  	s24 =	sshrl.u32 s24, $0x3  }
0x28: {  	s24 =	sadd.s32 s1, s24  }
0x29: {  	[tilespmem:s22], [sflag:$0x1] =	stream.strided.gather [hbm4b:s24+s12], $0x18700, s13, s12, $0x38;
	[tilespmem:$0x1E700] =	vst v63  }
0x2a: {  	_ =	swait.ge [sflag:s15], $0x18700  }
0x2b: {  	[sflag:s15] =	ssyncset.done $0x0  }
0x2c: {  	s31 =	sshll.u32 s23, $0xB;
	s25 =	sshll.u32 s23, $0x4;
	[sflag:s15] =	ssyncadd.s32 $0xFFFE7900  }
0x2d: {  	s25 =	sand.u32 $0x70, s25;
	s24 =	sand.u32 $0xC000, s31;
	_ =	swait.ge [sflag:s16], $0x1000  }
0x2e: {  	s24 =	sor.u32 s25, s24;
	[sflag:s16] =	ssyncset.done $0x0  }
0x2f: {  	s25 =	sadd.s32 s24, s7;
	[sflag:s16] =	ssyncadd.s32 $0xFFFFF000  }
0x30: {  	[tilespmem:s17], [sflag:$0x3] =	stream.strided.gather [hbm4b:s25+s12], $0x1000, s13, s12, $0x38;
	[tilespmem:$0x1E700] =	vst v63  }
0x31: {  	s25 =	simm.s32 $0x0  }
0x32: {  	v1 =	vld [tilespmem:s25+$0x1C7F0]  }
0x33: {  	v2 =	vld [tilespmem:s25+$0x1C700]  }
0x34: {  	v3 =	vld [tilespmem:s25+$0x1C710]  }
0x35: {  	v4 =	vld [tilespmem:s25+$0x1C720]  }
0x36: {  	v5 =	vld [tilespmem:s25+$0x1C730]  }
0x37: {  	v6 =	vld [tilespmem:s25+$0x1C740]  }
0x38: {  	v7 =	vld [tilespmem:s25+$0x1C750]  }
0x39: {  	v8 =	vld [tilespmem:s25+$0x1C760]  }
0x3a: {  	v9 =	vld [tilespmem:s25+$0x1C770]  }
0x3b: {  	v10 =	vld [tilespmem:s25+$0x1C780]  }
0x3c: {  	v11 =	vld [tilespmem:s25+$0x1C790]  }
0x3d: {  	v12 =	vld [tilespmem:s25+$0x1C7A0]  }
0x3e: {  	v13 =	vld [tilespmem:s25+$0x1C7B0]  }
0x3f: {  	v14 =	vld [tilespmem:s25+$0x1C7D0]  }
0x40: {  	v15 =	vld [tilespmem:s25+$0x1C7E0]  }
0x41: {  	v1 =	vld.idx.msk [tilespmem:v1+s3+$0x0], $0xffff  }
0x42: {  	v2 =	vld.idx.msk [tilespmem:v2+s3+$0x0], $0xffff  }
0x43: {  	v3 =	vld.idx.msk [tilespmem:v3+s3+$0x0], $0xffff  }
0x44: {  	v4 =	vld.idx.msk [tilespmem:v4+s3+$0x0], $0xffff  }
0x45: {  	v5 =	vld.idx.msk [tilespmem:v5+s3+$0x0], $0xffff  }
0x46: {  	v6 =	vld.idx.msk [tilespmem:v6+s3+$0x0], $0xffff  }
0x47: {  	v7 =	vld.idx.msk [tilespmem:v7+s3+$0x0], $0xffff  }
0x48: {  	v8 =	vld.idx.msk [tilespmem:v8+s3+$0x0], $0xffff  }
0x49: {  	v9 =	vld.idx.msk [tilespmem:v9+s3+$0x0], $0xffff  }
0x4a: {  	v10 =	vld.idx.msk [tilespmem:v10+s3+$0x0], $0xffff  }
0x4b: {  	v11 =	vld.idx.msk [tilespmem:v11+s3+$0x0], $0xffff  }
0x4c: {  	v12 =	vld.idx.msk [tilespmem:v12+s3+$0x0], $0xffff  }
0x4d: {  	v13 =	vld.idx.msk [tilespmem:v13+s3+$0x0], $0xffff  }
0x4e: {  	v14 =	vld.idx.msk [tilespmem:v14+s3+$0x0], $0xffff  }
0x4f: {  	[tilespmem:s25+$0x187F0] =	vst.add.f32.msk $0xffff, v1  }
0x50: {  	v1 =	vld [tilespmem:s25+$0x1C7C0]  }
0x51: {  	[tilespmem:s25+$0x18700] =	vst.add.f32.msk $0xffff, v2  }
0x52: {  	[tilespmem:s25+$0x18710] =	vst.add.f32.msk $0xffff, v3  }
0x53: {  	[tilespmem:s25+$0x18720] =	vst.add.f32.msk $0xffff, v4  }
0x54: {  	[tilespmem:s25+$0x18730] =	vst.add.f32.msk $0xffff, v5  }
0x55: {  	[tilespmem:s25+$0x18740] =	vst.add.f32.msk $0xffff, v6  }
0x56: {  	[tilespmem:s25+$0x18750] =	vst.add.f32.msk $0xffff, v7  }
0x57: {  	[tilespmem:s25+$0x18760] =	vst.add.f32.msk $0xffff, v8  }
0x58: {  	[tilespmem:s25+$0x18770] =	vst.add.f32.msk $0xffff, v9  }
0x59: {  	[tilespmem:s25+$0x18780] =	vst.add.f32.msk $0xffff, v10  }
0x5a: {  	[tilespmem:s25+$0x18790] =	vst.add.f32.msk $0xffff, v11  }
0x5b: {  	v16 =	vld.idx.msk [tilespmem:v1+s3+$0x0], $0xffff  }
0x5c: {  	v1 =	vld.idx.msk [tilespmem:v15+s3+$0x0], $0xffff  }
0x5d: {  	[tilespmem:s25+$0x187A0] =	vst.add.f32.msk $0xffff, v12  }
0x5e: {  	[tilespmem:s25+$0x187B0] =	vst.add.f32.msk $0xffff, v13  }
0x5f: {  	[tilespmem:s25+$0x187D0] =	vst.add.f32.msk $0xffff, v14  }
0x60: {  	s26 =	simm.s32 $0x0;
	s28 =	simm.s32 $0x400;
	[tilespmem:s25+$0x187C0] =	vst.add.f32.msk $0xffff, v16  }
.LBB2_6:
0x61: {  	s26 =	sadd.s32 $0x10, s26;
	[tilespmem:s25+$0x187E0] =	vst.add.f32.msk $0xffff, v1;
	s25 =	sshra.s32 s28, $0x2  }
0x62: {  	v1 =	vld [tilespmem:s25+$0x1C7F0];
	p0 =	slt.u32 s26, $0xF0  }
0x63: {  	v2 =	vld [tilespmem:s25+$0x1C700]  }
0x64: {  	v3 =	vld [tilespmem:s25+$0x1C710]  }
0x65: {  	v4 =	vld [tilespmem:s25+$0x1C720]  }
0x66: {  	v5 =	vld [tilespmem:s25+$0x1C730]  }
0x67: {  	v6 =	vld [tilespmem:s25+$0x1C740]  }
0x68: {  	v7 =	vld [tilespmem:s25+$0x1C750]  }
0x69: {  	v8 =	vld [tilespmem:s25+$0x1C760]  }
0x6a: {  	v1 =	vld.idx.msk [tilespmem:v1+s3+$0x0], $0xffff  }
0x6b: {  	v9 =	vld [tilespmem:s25+$0x1C770]  }
0x6c: {  	v10 =	vld [tilespmem:s25+$0x1C780]  }
0x6d: {  	v11 =	vld [tilespmem:s25+$0x1C790]  }
0x6e: {  	v12 =	vld [tilespmem:s25+$0x1C7A0]  }
0x6f: {  	v13 =	vld [tilespmem:s25+$0x1C7B0]  }
0x70: {  	[tilespmem:s25+$0x187F0] =	vst.add.f32.msk $0xffff, v1  }
0x71: {  	v1 =	vld [tilespmem:s25+$0x1C7C0]  }
0x72: {  	v14 =	vld [tilespmem:s25+$0x1C7D0]  }
0x73: {  	v15 =	vld [tilespmem:s25+$0x1C7E0]  }
0x74: {  	v2 =	vld.idx.msk [tilespmem:v2+s3+$0x0], $0xffff  }
0x75: {  	v3 =	vld.idx.msk [tilespmem:v3+s3+$0x0], $0xffff  }
0x76: {  	v4 =	vld.idx.msk [tilespmem:v4+s3+$0x0], $0xffff  }
0x77: {  	v5 =	vld.idx.msk [tilespmem:v5+s3+$0x0], $0xffff  }
0x78: {  	v6 =	vld.idx.msk [tilespmem:v6+s3+$0x0], $0xffff  }
0x79: {  	v7 =	vld.idx.msk [tilespmem:v7+s3+$0x0], $0xffff  }
0x7a: {  	v8 =	vld.idx.msk [tilespmem:v8+s3+$0x0], $0xffff  }
0x7b: {  	v9 =	vld.idx.msk [tilespmem:v9+s3+$0x0], $0xffff  }
0x7c: {  	v10 =	vld.idx.msk [tilespmem:v10+s3+$0x0], $0xffff  }
0x7d: {  	v11 =	vld.idx.msk [tilespmem:v11+s3+$0x0], $0xffff  }
0x7e: {  	v12 =	vld.idx.msk [tilespmem:v12+s3+$0x0], $0xffff  }
0x7f: {  	v13 =	vld.idx.msk [tilespmem:v13+s3+$0x0], $0xffff  }
0x80: {  	v16 =	vld.idx.msk [tilespmem:v1+s3+$0x0], $0xffff  }
0x81: {  	v14 =	vld.idx.msk [tilespmem:v14+s3+$0x0], $0xffff  }
0x82: {  	v1 =	vld.idx.msk [tilespmem:v15+s3+$0x0], $0xffff  }
0x83: {  	[tilespmem:s25+$0x18700] =	vst.add.f32.msk $0xffff, v2  }
0x84: {  	[tilespmem:s25+$0x18710] =	vst.add.f32.msk $0xffff, v3  }
0x85: {  	[tilespmem:s25+$0x18720] =	vst.add.f32.msk $0xffff, v4  }
0x86: {  	[tilespmem:s25+$0x18730] =	vst.add.f32.msk $0xffff, v5  }
0x87: {  	[tilespmem:s25+$0x18740] =	vst.add.f32.msk $0xffff, v6  }
0x88: {  	[tilespmem:s25+$0x18750] =	vst.add.f32.msk $0xffff, v7  }
0x89: {  	[tilespmem:s25+$0x18760] =	vst.add.f32.msk $0xffff, v8  }
0x8a: {  	[tilespmem:s25+$0x18770] =	vst.add.f32.msk $0xffff, v9  }
0x8b: {  	[tilespmem:s25+$0x18780] =	vst.add.f32.msk $0xffff, v10  }
.Ltmp1:
0x8c: {  	[tilespmem:s25+$0x18790] =	vst.add.f32.msk $0xffff, v11;
	(pc) =	sbr.rel @p0 .LBB2_6-.Ltmp1, $4  }
0x8d: {  	[tilespmem:s25+$0x187A0] =	vst.add.f32.msk $0xffff, v12  }
0x8e: {  	[tilespmem:s25+$0x187B0] =	vst.add.f32.msk $0xffff, v13  }
0x8f: {  	[tilespmem:s25+$0x187C0] =	vst.add.f32.msk $0xffff, v16  }
0x90: {  	s28 =	sadd.s32 $0x400, s28;
	[tilespmem:s25+$0x187D0] =	vst.add.f32.msk $0xffff, v14  }
0x91: {  	[tilespmem:s25+$0x187E0] =	vst.add.f32.msk $0xffff, v1  }
0x92: {  	_ =	swait.ge [sflag:s18], $0x1000  }
0x93: {  	[sflag:s18] =	ssyncset.done $0x0  }
0x94: {  	s31 =	sadd.s32 s24, s8;
	s25 =	simm.s32 $0x0;
	[sflag:s18] =	ssyncadd.s32 $0xFFFFF000  }
0x95: {  	[tilespmem:s14], [sflag:$0x2] =	stream.strided.gather [hbm4b:s31+s12], $0x1000, s13, s12, $0x38;
	[tilespmem:$0x1E700] =	vst v63  }
0x96: {  	v1 =	vld [tilespmem:s25+$0x1D7F0]  }
0x97: {  	v2 =	vld [tilespmem:s25+$0x1D700]  }
0x98: {  	v3 =	vld [tilespmem:s25+$0x1D710]  }
0x99: {  	v4 =	vld [tilespmem:s25+$0x1D720]  }
0x9a: {  	v5 =	vld [tilespmem:s25+$0x1D730]  }
0x9b: {  	v6 =	vld [tilespmem:s25+$0x1D740]  }
0x9c: {  	v7 =	vld [tilespmem:s25+$0x1D750]  }
0x9d: {  	v8 =	vld [tilespmem:s25+$0x1D760]  }
0x9e: {  	v9 =	vld [tilespmem:s25+$0x1D770]  }
0x9f: {  	v10 =	vld [tilespmem:s25+$0x1D780]  }
0xa0: {  	v11 =	vld [tilespmem:s25+$0x1D790]  }
0xa1: {  	v12 =	vld [tilespmem:s25+$0x1D7A0]  }
0xa2: {  	v13 =	vld [tilespmem:s25+$0x1D7B0]  }
0xa3: {  	v14 =	vld [tilespmem:s25+$0x1D7D0]  }
0xa4: {  	v15 =	vld [tilespmem:s25+$0x1D7E0]  }
0xa5: {  	v1 =	vld.idx.msk [tilespmem:v1+s3+$0x0], $0xffff  }
0xa6: {  	v2 =	vld.idx.msk [tilespmem:v2+s3+$0x0], $0xffff  }
0xa7: {  	v3 =	vld.idx.msk [tilespmem:v3+s3+$0x0], $0xffff  }
0xa8: {  	v4 =	vld.idx.msk [tilespmem:v4+s3+$0x0], $0xffff  }
0xa9: {  	v5 =	vld.idx.msk [tilespmem:v5+s3+$0x0], $0xffff  }
0xaa: {  	v6 =	vld.idx.msk [tilespmem:v6+s3+$0x0], $0xffff  }
0xab: {  	v7 =	vld.idx.msk [tilespmem:v7+s3+$0x0], $0xffff  }
0xac: {  	v8 =	vld.idx.msk [tilespmem:v8+s3+$0x0], $0xffff  }
0xad: {  	v9 =	vld.idx.msk [tilespmem:v9+s3+$0x0], $0xffff  }
0xae: {  	v10 =	vld.idx.msk [tilespmem:v10+s3+$0x0], $0xffff  }
0xaf: {  	v11 =	vld.idx.msk [tilespmem:v11+s3+$0x0], $0xffff  }
0xb0: {  	v12 =	vld.idx.msk [tilespmem:v12+s3+$0x0], $0xffff  }
0xb1: {  	v13 =	vld.idx.msk [tilespmem:v13+s3+$0x0], $0xffff  }
0xb2: {  	v14 =	vld.idx.msk [tilespmem:v14+s3+$0x0], $0xffff  }
0xb3: {  	[tilespmem:s25+$0x197F0] =	vst.add.f32.msk $0xffff, v1  }
0xb4: {  	v1 =	vld [tilespmem:s25+$0x1D7C0]  }
0xb5: {  	[tilespmem:s25+$0x19700] =	vst.add.f32.msk $0xffff, v2  }
0xb6: {  	[tilespmem:s25+$0x19710] =	vst.add.f32.msk $0xffff, v3  }
0xb7: {  	[tilespmem:s25+$0x19720] =	vst.add.f32.msk $0xffff, v4  }
0xb8: {  	[tilespmem:s25+$0x19730] =	vst.add.f32.msk $0xffff, v5  }
0xb9: {  	[tilespmem:s25+$0x19740] =	vst.add.f32.msk $0xffff, v6  }
0xba: {  	[tilespmem:s25+$0x19750] =	vst.add.f32.msk $0xffff, v7  }
0xbb: {  	[tilespmem:s25+$0x19760] =	vst.add.f32.msk $0xffff, v8  }
0xbc: {  	[tilespmem:s25+$0x19770] =	vst.add.f32.msk $0xffff, v9  }
0xbd: {  	[tilespmem:s25+$0x19780] =	vst.add.f32.msk $0xffff, v10  }
0xbe: {  	[tilespmem:s25+$0x19790] =	vst.add.f32.msk $0xffff, v11  }
0xbf: {  	v16 =	vld.idx.msk [tilespmem:v1+s3+$0x0], $0xffff  }
0xc0: {  	v1 =	vld.idx.msk [tilespmem:v15+s3+$0x0], $0xffff  }
0xc1: {  	[tilespmem:s25+$0x197A0] =	vst.add.f32.msk $0xffff, v12  }
0xc2: {  	[tilespmem:s25+$0x197B0] =	vst.add.f32.msk $0xffff, v13  }
0xc3: {  	[tilespmem:s25+$0x197D0] =	vst.add.f32.msk $0xffff, v14  }
0xc4: {  	s26 =	simm.s32 $0x0;
	s28 =	simm.s32 $0x400;
	[tilespmem:s25+$0x197C0] =	vst.add.f32.msk $0xffff, v16  }
.LBB2_8:
0xc5: {  	s26 =	sadd.s32 $0x10, s26;
	[tilespmem:s25+$0x197E0] =	vst.add.f32.msk $0xffff, v1;
	s25 =	sshra.s32 s28, $0x2  }
0xc6: {  	v1 =	vld [tilespmem:s25+$0x1D7F0];
	p0 =	slt.u32 s26, $0xF0  }
0xc7: {  	v2 =	vld [tilespmem:s25+$0x1D700]  }
0xc8: {  	v3 =	vld [tilespmem:s25+$0x1D710]  }
0xc9: {  	v4 =	vld [tilespmem:s25+$0x1D720]  }
0xca: {  	v5 =	vld [tilespmem:s25+$0x1D730]  }
0xcb: {  	v6 =	vld [tilespmem:s25+$0x1D740]  }
0xcc: {  	v7 =	vld [tilespmem:s25+$0x1D750]  }
0xcd: {  	v8 =	vld [tilespmem:s25+$0x1D760]  }
0xce: {  	v1 =	vld.idx.msk [tilespmem:v1+s3+$0x0], $0xffff  }
0xcf: {  	v9 =	vld [tilespmem:s25+$0x1D770]  }
0xd0: {  	v10 =	vld [tilespmem:s25+$0x1D780]  }
0xd1: {  	v11 =	vld [tilespmem:s25+$0x1D790]  }
0xd2: {  	v12 =	vld [tilespmem:s25+$0x1D7A0]  }
0xd3: {  	v13 =	vld [tilespmem:s25+$0x1D7B0]  }
0xd4: {  	[tilespmem:s25+$0x197F0] =	vst.add.f32.msk $0xffff, v1  }
0xd5: {  	v1 =	vld [tilespmem:s25+$0x1D7C0]  }
0xd6: {  	v14 =	vld [tilespmem:s25+$0x1D7D0]  }
0xd7: {  	v15 =	vld [tilespmem:s25+$0x1D7E0]  }
0xd8: {  	v2 =	vld.idx.msk [tilespmem:v2+s3+$0x0], $0xffff  }
0xd9: {  	v3 =	vld.idx.msk [tilespmem:v3+s3+$0x0], $0xffff  }
0xda: {  	v4 =	vld.idx.msk [tilespmem:v4+s3+$0x0], $0xffff  }
0xdb: {  	v5 =	vld.idx.msk [tilespmem:v5+s3+$0x0], $0xffff  }
0xdc: {  	v6 =	vld.idx.msk [tilespmem:v6+s3+$0x0], $0xffff  }
0xdd: {  	v7 =	vld.idx.msk [tilespmem:v7+s3+$0x0], $0xffff  }
0xde: {  	v8 =	vld.idx.msk [tilespmem:v8+s3+$0x0], $0xffff  }
0xdf: {  	v9 =	vld.idx.msk [tilespmem:v9+s3+$0x0], $0xffff  }
0xe0: {  	v10 =	vld.idx.msk [tilespmem:v10+s3+$0x0], $0xffff  }
0xe1: {  	v11 =	vld.idx.msk [tilespmem:v11+s3+$0x0], $0xffff  }
0xe2: {  	v12 =	vld.idx.msk [tilespmem:v12+s3+$0x0], $0xffff  }
0xe3: {  	v13 =	vld.idx.msk [tilespmem:v13+s3+$0x0], $0xffff  }
0xe4: {  	v16 =	vld.idx.msk [tilespmem:v1+s3+$0x0], $0xffff  }
0xe5: {  	v14 =	vld.idx.msk [tilespmem:v14+s3+$0x0], $0xffff  }
0xe6: {  	v1 =	vld.idx.msk [tilespmem:v15+s3+$0x0], $0xffff  }
0xe7: {  	[tilespmem:s25+$0x19700] =	vst.add.f32.msk $0xffff, v2  }
0xe8: {  	[tilespmem:s25+$0x19710] =	vst.add.f32.msk $0xffff, v3  }
0xe9: {  	[tilespmem:s25+$0x19720] =	vst.add.f32.msk $0xffff, v4  }
0xea: {  	[tilespmem:s25+$0x19730] =	vst.add.f32.msk $0xffff, v5  }
0xeb: {  	[tilespmem:s25+$0x19740] =	vst.add.f32.msk $0xffff, v6  }
0xec: {  	[tilespmem:s25+$0x19750] =	vst.add.f32.msk $0xffff, v7  }
0xed: {  	[tilespmem:s25+$0x19760] =	vst.add.f32.msk $0xffff, v8  }
0xee: {  	[tilespmem:s25+$0x19770] =	vst.add.f32.msk $0xffff, v9  }
0xef: {  	[tilespmem:s25+$0x19780] =	vst.add.f32.msk $0xffff, v10  }
.Ltmp2:
0xf0: {  	[tilespmem:s25+$0x19790] =	vst.add.f32.msk $0xffff, v11;
	(pc) =	sbr.rel @p0 .LBB2_8-.Ltmp2, $4  }
0xf1: {  	[tilespmem:s25+$0x197A0] =	vst.add.f32.msk $0xffff, v12  }
0xf2: {  	[tilespmem:s25+$0x197B0] =	vst.add.f32.msk $0xffff, v13  }
0xf3: {  	[tilespmem:s25+$0x197C0] =	vst.add.f32.msk $0xffff, v16  }
0xf4: {  	s28 =	sadd.s32 $0x400, s28;
	[tilespmem:s25+$0x197D0] =	vst.add.f32.msk $0xffff, v14  }
0xf5: {  	[tilespmem:s25+$0x197E0] =	vst.add.f32.msk $0xffff, v1  }
0xf6: {  	_ =	swait.ge [sflag:s16], $0x1000  }
0xf7: {  	[sflag:s16] =	ssyncset.done $0x0  }
0xf8: {  	s24 =	sadd.s32 s24, s9;
	s25 =	simm.s32 $0x0;
	[sflag:s16] =	ssyncadd.s32 $0xFFFFF000  }
0xf9: {  	[tilespmem:s17], [sflag:$0x3] =	stream.strided.gather [hbm4b:s24+s12], $0x1000, s13, s12, $0x38;
	[tilespmem:$0x1E700] =	vst v63  }
0xfa: {  	v1 =	vld [tilespmem:s25+$0x1C7F0]  }
0xfb: {  	v2 =	vld [tilespmem:s25+$0x1C700]  }
0xfc: {  	v3 =	vld [tilespmem:s25+$0x1C710]  }
0xfd: {  	v4 =	vld [tilespmem:s25+$0x1C720]  }
0xfe: {  	v5 =	vld [tilespmem:s25+$0x1C730]  }
0xff: {  	v6 =	vld [tilespmem:s25+$0x1C740]  }
0x100: {  	v7 =	vld [tilespmem:s25+$0x1C750]  }
0x101: {  	v8 =	vld [tilespmem:s25+$0x1C760]  }
0x102: {  	v9 =	vld [tilespmem:s25+$0x1C770]  }
0x103: {  	v10 =	vld [tilespmem:s25+$0x1C780]  }
0x104: {  	v11 =	vld [tilespmem:s25+$0x1C790]  }
0x105: {  	v12 =	vld [tilespmem:s25+$0x1C7A0]  }
0x106: {  	v13 =	vld [tilespmem:s25+$0x1C7B0]  }
0x107: {  	v14 =	vld [tilespmem:s25+$0x1C7D0]  }
0x108: {  	v15 =	vld [tilespmem:s25+$0x1C7E0]  }
0x109: {  	v1 =	vld.idx.msk [tilespmem:v1+s3+$0x0], $0xffff  }
0x10a: {  	v2 =	vld.idx.msk [tilespmem:v2+s3+$0x0], $0xffff  }
0x10b: {  	v3 =	vld.idx.msk [tilespmem:v3+s3+$0x0], $0xffff  }
0x10c: {  	v4 =	vld.idx.msk [tilespmem:v4+s3+$0x0], $0xffff  }
0x10d: {  	v5 =	vld.idx.msk [tilespmem:v5+s3+$0x0], $0xffff  }
0x10e: {  	v6 =	vld.idx.msk [tilespmem:v6+s3+$0x0], $0xffff  }
0x10f: {  	v7 =	vld.idx.msk [tilespmem:v7+s3+$0x0], $0xffff  }
0x110: {  	v8 =	vld.idx.msk [tilespmem:v8+s3+$0x0], $0xffff  }
0x111: {  	v9 =	vld.idx.msk [tilespmem:v9+s3+$0x0], $0xffff  }
0x112: {  	v10 =	vld.idx.msk [tilespmem:v10+s3+$0x0], $0xffff  }
0x113: {  	v11 =	vld.idx.msk [tilespmem:v11+s3+$0x0], $0xffff  }
0x114: {  	v12 =	vld.idx.msk [tilespmem:v12+s3+$0x0], $0xffff  }
0x115: {  	v13 =	vld.idx.msk [tilespmem:v13+s3+$0x0], $0xffff  }
0x116: {  	v14 =	vld.idx.msk [tilespmem:v14+s3+$0x0], $0xffff  }
0x117: {  	[tilespmem:s25+$0x1A7F0] =	vst.add.f32.msk $0xffff, v1  }
0x118: {  	v1 =	vld [tilespmem:s25+$0x1C7C0]  }
0x119: {  	[tilespmem:s25+$0x1A700] =	vst.add.f32.msk $0xffff, v2  }
0x11a: {  	[tilespmem:s25+$0x1A710] =	vst.add.f32.msk $0xffff, v3  }
0x11b: {  	[tilespmem:s25+$0x1A720] =	vst.add.f32.msk $0xffff, v4  }
0x11c: {  	[tilespmem:s25+$0x1A730] =	vst.add.f32.msk $0xffff, v5  }
0x11d: {  	[tilespmem:s25+$0x1A740] =	vst.add.f32.msk $0xffff, v6  }
0x11e: {  	[tilespmem:s25+$0x1A750] =	vst.add.f32.msk $0xffff, v7  }
0x11f: {  	[tilespmem:s25+$0x1A760] =	vst.add.f32.msk $0xffff, v8  }
0x120: {  	[tilespmem:s25+$0x1A770] =	vst.add.f32.msk $0xffff, v9  }
0x121: {  	[tilespmem:s25+$0x1A780] =	vst.add.f32.msk $0xffff, v10  }
0x122: {  	[tilespmem:s25+$0x1A790] =	vst.add.f32.msk $0xffff, v11  }
0x123: {  	v16 =	vld.idx.msk [tilespmem:v1+s3+$0x0], $0xffff  }
0x124: {  	v1 =	vld.idx.msk [tilespmem:v15+s3+$0x0], $0xffff  }
0x125: {  	[tilespmem:s25+$0x1A7A0] =	vst.add.f32.msk $0xffff, v12  }
0x126: {  	[tilespmem:s25+$0x1A7B0] =	vst.add.f32.msk $0xffff, v13  }
0x127: {  	[tilespmem:s25+$0x1A7D0] =	vst.add.f32.msk $0xffff, v14  }
0x128: {  	s26 =	simm.s32 $0x400;
	s24 =	simm.s32 $0x0;
	[tilespmem:s25+$0x1A7C0] =	vst.add.f32.msk $0xffff, v16  }
.LBB2_10:
0x129: {  	s24 =	sadd.s32 $0x10, s24;
	[tilespmem:s25+$0x1A7E0] =	vst.add.f32.msk $0xffff, v1;
	s25 =	sshra.s32 s26, $0x2  }
0x12a: {  	v1 =	vld [tilespmem:s25+$0x1C7F0];
	p0 =	slt.u32 s24, $0xF0  }
0x12b: {  	v2 =	vld [tilespmem:s25+$0x1C700]  }
0x12c: {  	v3 =	vld [tilespmem:s25+$0x1C710]  }
0x12d: {  	v4 =	vld [tilespmem:s25+$0x1C720]  }
0x12e: {  	v5 =	vld [tilespmem:s25+$0x1C730]  }
0x12f: {  	v6 =	vld [tilespmem:s25+$0x1C740]  }
0x130: {  	v7 =	vld [tilespmem:s25+$0x1C750]  }
0x131: {  	v8 =	vld [tilespmem:s25+$0x1C760]  }
0x132: {  	v1 =	vld.idx.msk [tilespmem:v1+s3+$0x0], $0xffff  }
0x133: {  	v9 =	vld [tilespmem:s25+$0x1C770]  }
0x134: {  	v10 =	vld [tilespmem:s25+$0x1C780]  }
0x135: {  	v11 =	vld [tilespmem:s25+$0x1C790]  }
0x136: {  	v12 =	vld [tilespmem:s25+$0x1C7A0]  }
0x137: {  	v13 =	vld [tilespmem:s25+$0x1C7B0]  }
0x138: {  	[tilespmem:s25+$0x1A7F0] =	vst.add.f32.msk $0xffff, v1  }
0x139: {  	v1 =	vld [tilespmem:s25+$0x1C7C0]  }
0x13a: {  	v14 =	vld [tilespmem:s25+$0x1C7D0]  }
0x13b: {  	v15 =	vld [tilespmem:s25+$0x1C7E0]  }
0x13c: {  	v2 =	vld.idx.msk [tilespmem:v2+s3+$0x0], $0xffff  }
0x13d: {  	v3 =	vld.idx.msk [tilespmem:v3+s3+$0x0], $0xffff  }
0x13e: {  	v4 =	vld.idx.msk [tilespmem:v4+s3+$0x0], $0xffff  }
0x13f: {  	v5 =	vld.idx.msk [tilespmem:v5+s3+$0x0], $0xffff  }
0x140: {  	v6 =	vld.idx.msk [tilespmem:v6+s3+$0x0], $0xffff  }
0x141: {  	v7 =	vld.idx.msk [tilespmem:v7+s3+$0x0], $0xffff  }
0x142: {  	v8 =	vld.idx.msk [tilespmem:v8+s3+$0x0], $0xffff  }
0x143: {  	v9 =	vld.idx.msk [tilespmem:v9+s3+$0x0], $0xffff  }
0x144: {  	v10 =	vld.idx.msk [tilespmem:v10+s3+$0x0], $0xffff  }
0x145: {  	v11 =	vld.idx.msk [tilespmem:v11+s3+$0x0], $0xffff  }
0x146: {  	v12 =	vld.idx.msk [tilespmem:v12+s3+$0x0], $0xffff  }
0x147: {  	v13 =	vld.idx.msk [tilespmem:v13+s3+$0x0], $0xffff  }
0x148: {  	v16 =	vld.idx.msk [tilespmem:v1+s3+$0x0], $0xffff  }
0x149: {  	v14 =	vld.idx.msk [tilespmem:v14+s3+$0x0], $0xffff  }
0x14a: {  	v1 =	vld.idx.msk [tilespmem:v15+s3+$0x0], $0xffff  }
0x14b: {  	[tilespmem:s25+$0x1A700] =	vst.add.f32.msk $0xffff, v2  }
0x14c: {  	[tilespmem:s25+$0x1A710] =	vst.add.f32.msk $0xffff, v3  }
0x14d: {  	[tilespmem:s25+$0x1A720] =	vst.add.f32.msk $0xffff, v4  }
0x14e: {  	[tilespmem:s25+$0x1A730] =	vst.add.f32.msk $0xffff, v5  }
0x14f: {  	[tilespmem:s25+$0x1A740] =	vst.add.f32.msk $0xffff, v6  }
0x150: {  	[tilespmem:s25+$0x1A750] =	vst.add.f32.msk $0xffff, v7  }
0x151: {  	[tilespmem:s25+$0x1A760] =	vst.add.f32.msk $0xffff, v8  }
0x152: {  	[tilespmem:s25+$0x1A770] =	vst.add.f32.msk $0xffff, v9  }
0x153: {  	[tilespmem:s25+$0x1A780] =	vst.add.f32.msk $0xffff, v10  }
.Ltmp3:
0x154: {  	[tilespmem:s25+$0x1A790] =	vst.add.f32.msk $0xffff, v11;
	(pc) =	sbr.rel @p0 .LBB2_10-.Ltmp3, $4  }
0x155: {  	[tilespmem:s25+$0x1A7A0] =	vst.add.f32.msk $0xffff, v12  }
0x156: {  	[tilespmem:s25+$0x1A7B0] =	vst.add.f32.msk $0xffff, v13  }
0x157: {  	[tilespmem:s25+$0x1A7C0] =	vst.add.f32.msk $0xffff, v16  }
0x158: {  	s26 =	sadd.s32 $0x400, s26;
	[tilespmem:s25+$0x1A7D0] =	vst.add.f32.msk $0xffff, v14  }
0x159: {  	s24 =	sadd.s32 $0x1, s23;
	p0 =	seq.s32 s23, $0x19;
	[tilespmem:s25+$0x1A7E0] =	vst.add.f32.msk $0xffff, v1  }
0x15a: {  	s23 =	sshll.u32 @!p0 s24, $0x4;
	_ =	swait.ge [sflag:s18], $0x1000;
	s25 =	sshll.u32 @!p0 s24, $0xB  }
0x15b: {  	s26 =	simm.s32 @!p0 $0x400;
	s28 =	simm.s32 @!p0 $0x1C700;
	s23 =	sand.u32 @!p0 $0x70, s23  }
0x15c: {  	[sflag:s18] =	ssyncset.done $0x0;
	s25 =	sand.u32 @!p0 $0x1C000, s25;
	s23 =	sadd.s32 @!p0 s2, s23  }
0x15d: {  	[sflag:s18] =	ssyncadd.s32 $0xFFFFF000;
	s23 =	sadd.s32 @!p0 s25, s23;
	s25 =	simm.s32 @!p0 $0x80  }
0x15e: {  	[tilespmem:s28], [sflag:$0x2] =	stream.strided.gather @!p0 [hbm4b:s23+s25], $0x1000, s26, s25, $0x38;
	[tilespmem:$0x1E700] =	vst v63  }
0x15f: {  	s23 =	simm.s32 $0x0  }
0x160: {  	v1 =	vld [tilespmem:s23+$0x1D7F0]  }
0x161: {  	v2 =	vld [tilespmem:s23+$0x1D700]  }
0x162: {  	v3 =	vld [tilespmem:s23+$0x1D710]  }
0x163: {  	v4 =	vld [tilespmem:s23+$0x1D720]  }
0x164: {  	v5 =	vld [tilespmem:s23+$0x1D730]  }
0x165: {  	v6 =	vld [tilespmem:s23+$0x1D740]  }
0x166: {  	v7 =	vld [tilespmem:s23+$0x1D750]  }
0x167: {  	v8 =	vld [tilespmem:s23+$0x1D760]  }
0x168: {  	v9 =	vld [tilespmem:s23+$0x1D770]  }
0x169: {  	v10 =	vld [tilespmem:s23+$0x1D780]  }
0x16a: {  	v11 =	vld [tilespmem:s23+$0x1D790]  }
0x16b: {  	v12 =	vld [tilespmem:s23+$0x1D7A0]  }
0x16c: {  	v13 =	vld [tilespmem:s23+$0x1D7B0]  }
0x16d: {  	v14 =	vld [tilespmem:s23+$0x1D7D0]  }
0x16e: {  	v15 =	vld [tilespmem:s23+$0x1D7E0]  }
0x16f: {  	v1 =	vld.idx.msk [tilespmem:v1+s3+$0x0], $0xffff  }
0x170: {  	v2 =	vld.idx.msk [tilespmem:v2+s3+$0x0], $0xffff  }
0x171: {  	v3 =	vld.idx.msk [tilespmem:v3+s3+$0x0], $0xffff  }
0x172: {  	v4 =	vld.idx.msk [tilespmem:v4+s3+$0x0], $0xffff  }
0x173: {  	v5 =	vld.idx.msk [tilespmem:v5+s3+$0x0], $0xffff  }
0x174: {  	v6 =	vld.idx.msk [tilespmem:v6+s3+$0x0], $0xffff  }
0x175: {  	v7 =	vld.idx.msk [tilespmem:v7+s3+$0x0], $0xffff  }
0x176: {  	v8 =	vld.idx.msk [tilespmem:v8+s3+$0x0], $0xffff  }
0x177: {  	v9 =	vld.idx.msk [tilespmem:v9+s3+$0x0], $0xffff  }
0x178: {  	v10 =	vld.idx.msk [tilespmem:v10+s3+$0x0], $0xffff  }
0x179: {  	v11 =	vld.idx.msk [tilespmem:v11+s3+$0x0], $0xffff  }
0x17a: {  	v12 =	vld.idx.msk [tilespmem:v12+s3+$0x0], $0xffff  }
0x17b: {  	v13 =	vld.idx.msk [tilespmem:v13+s3+$0x0], $0xffff  }
0x17c: {  	v14 =	vld.idx.msk [tilespmem:v14+s3+$0x0], $0xffff  }
0x17d: {  	[tilespmem:s23+$0x1B7F0] =	vst.add.f32.msk $0xffff, v1  }
0x17e: {  	v1 =	vld [tilespmem:s23+$0x1D7C0]  }
0x17f: {  	[tilespmem:s23+$0x1B700] =	vst.add.f32.msk $0xffff, v2  }
0x180: {  	[tilespmem:s23+$0x1B710] =	vst.add.f32.msk $0xffff, v3  }
0x181: {  	[tilespmem:s23+$0x1B720] =	vst.add.f32.msk $0xffff, v4  }
0x182: {  	[tilespmem:s23+$0x1B730] =	vst.add.f32.msk $0xffff, v5  }
0x183: {  	[tilespmem:s23+$0x1B740] =	vst.add.f32.msk $0xffff, v6  }
0x184: {  	[tilespmem:s23+$0x1B750] =	vst.add.f32.msk $0xffff, v7  }
0x185: {  	[tilespmem:s23+$0x1B760] =	vst.add.f32.msk $0xffff, v8  }
0x186: {  	[tilespmem:s23+$0x1B770] =	vst.add.f32.msk $0xffff, v9  }
0x187: {  	[tilespmem:s23+$0x1B780] =	vst.add.f32.msk $0xffff, v10  }
0x188: {  	[tilespmem:s23+$0x1B790] =	vst.add.f32.msk $0xffff, v11  }
0x189: {  	v16 =	vld.idx.msk [tilespmem:v1+s3+$0x0], $0xffff  }
0x18a: {  	v1 =	vld.idx.msk [tilespmem:v15+s3+$0x0], $0xffff  }
0x18b: {  	[tilespmem:s23+$0x1B7A0] =	vst.add.f32.msk $0xffff, v12  }
0x18c: {  	[tilespmem:s23+$0x1B7B0] =	vst.add.f32.msk $0xffff, v13  }
0x18d: {  	[tilespmem:s23+$0x1B7D0] =	vst.add.f32.msk $0xffff, v14  }
0x18e: {  	s25 =	simm.s32 $0x0;
	s26 =	simm.s32 $0x400;
	[tilespmem:s23+$0x1B7C0] =	vst.add.f32.msk $0xffff, v16  }
.LBB2_12:
0x18f: {  	s25 =	sadd.s32 $0x10, s25;
	[tilespmem:s23+$0x1B7E0] =	vst.add.f32.msk $0xffff, v1;
	s23 =	sshra.s32 s26, $0x2  }
0x190: {  	v1 =	vld [tilespmem:s23+$0x1D7F0];
	p0 =	slt.u32 s25, $0xF0  }
0x191: {  	v2 =	vld [tilespmem:s23+$0x1D700]  }
0x192: {  	v3 =	vld [tilespmem:s23+$0x1D710]  }
0x193: {  	v4 =	vld [tilespmem:s23+$0x1D720]  }
0x194: {  	v5 =	vld [tilespmem:s23+$0x1D730]  }
0x195: {  	v6 =	vld [tilespmem:s23+$0x1D740]  }
0x196: {  	v7 =	vld [tilespmem:s23+$0x1D750]  }
0x197: {  	v8 =	vld [tilespmem:s23+$0x1D760]  }
0x198: {  	v1 =	vld.idx.msk [tilespmem:v1+s3+$0x0], $0xffff  }
0x199: {  	v9 =	vld [tilespmem:s23+$0x1D770]  }
0x19a: {  	v10 =	vld [tilespmem:s23+$0x1D780]  }
0x19b: {  	v11 =	vld [tilespmem:s23+$0x1D790]  }
0x19c: {  	v12 =	vld [tilespmem:s23+$0x1D7A0]  }
0x19d: {  	v13 =	vld [tilespmem:s23+$0x1D7B0]  }
0x19e: {  	[tilespmem:s23+$0x1B7F0] =	vst.add.f32.msk $0xffff, v1  }
0x19f: {  	v1 =	vld [tilespmem:s23+$0x1D7C0]  }
0x1a0: {  	v14 =	vld [tilespmem:s23+$0x1D7D0]  }
0x1a1: {  	v15 =	vld [tilespmem:s23+$0x1D7E0]  }
0x1a2: {  	v2 =	vld.idx.msk [tilespmem:v2+s3+$0x0], $0xffff  }
0x1a3: {  	v3 =	vld.idx.msk [tilespmem:v3+s3+$0x0], $0xffff  }
0x1a4: {  	v4 =	vld.idx.msk [tilespmem:v4+s3+$0x0], $0xffff  }
0x1a5: {  	v5 =	vld.idx.msk [tilespmem:v5+s3+$0x0], $0xffff  }
0x1a6: {  	v6 =	vld.idx.msk [tilespmem:v6+s3+$0x0], $0xffff  }
0x1a7: {  	v7 =	vld.idx.msk [tilespmem:v7+s3+$0x0], $0xffff  }
0x1a8: {  	v8 =	vld.idx.msk [tilespmem:v8+s3+$0x0], $0xffff  }
0x1a9: {  	v9 =	vld.idx.msk [tilespmem:v9+s3+$0x0], $0xffff  }
0x1aa: {  	v10 =	vld.idx.msk [tilespmem:v10+s3+$0x0], $0xffff  }
0x1ab: {  	v11 =	vld.idx.msk [tilespmem:v11+s3+$0x0], $0xffff  }
0x1ac: {  	v12 =	vld.idx.msk [tilespmem:v12+s3+$0x0], $0xffff  }
0x1ad: {  	v13 =	vld.idx.msk [tilespmem:v13+s3+$0x0], $0xffff  }
0x1ae: {  	v16 =	vld.idx.msk [tilespmem:v1+s3+$0x0], $0xffff  }
0x1af: {  	v14 =	vld.idx.msk [tilespmem:v14+s3+$0x0], $0xffff  }
0x1b0: {  	v1 =	vld.idx.msk [tilespmem:v15+s3+$0x0], $0xffff  }
0x1b1: {  	[tilespmem:s23+$0x1B700] =	vst.add.f32.msk $0xffff, v2  }
0x1b2: {  	[tilespmem:s23+$0x1B710] =	vst.add.f32.msk $0xffff, v3  }
0x1b3: {  	[tilespmem:s23+$0x1B720] =	vst.add.f32.msk $0xffff, v4  }
0x1b4: {  	[tilespmem:s23+$0x1B730] =	vst.add.f32.msk $0xffff, v5  }
0x1b5: {  	[tilespmem:s23+$0x1B740] =	vst.add.f32.msk $0xffff, v6  }
0x1b6: {  	[tilespmem:s23+$0x1B750] =	vst.add.f32.msk $0xffff, v7  }
0x1b7: {  	[tilespmem:s23+$0x1B760] =	vst.add.f32.msk $0xffff, v8  }
0x1b8: {  	[tilespmem:s23+$0x1B770] =	vst.add.f32.msk $0xffff, v9  }
0x1b9: {  	[tilespmem:s23+$0x1B780] =	vst.add.f32.msk $0xffff, v10  }
.Ltmp4:
0x1ba: {  	[tilespmem:s23+$0x1B790] =	vst.add.f32.msk $0xffff, v11;
	(pc) =	sbr.rel @p0 .LBB2_12-.Ltmp4, $4  }
0x1bb: {  	[tilespmem:s23+$0x1B7A0] =	vst.add.f32.msk $0xffff, v12  }
0x1bc: {  	[tilespmem:s23+$0x1B7B0] =	vst.add.f32.msk $0xffff, v13  }
0x1bd: {  	[tilespmem:s23+$0x1B7C0] =	vst.add.f32.msk $0xffff, v16  }
0x1be: {  	s26 =	sadd.s32 $0x400, s26;
	[tilespmem:s23+$0x1B7D0] =	vst.add.f32.msk $0xffff, v14  }
0x1bf: {  	[tilespmem:s23+$0x1B7E0] =	vst.add.f32.msk $0xffff, v1  }
0x1c0: {  	p0 =	seq.s32 s24, $0x1A  }
.Ltmp5:
0x1c1: {  	_ = 	snop;
	(pc) =	sbr.rel @!p0 .LBB2_5-.Ltmp5, $1  }
0x1c2: {  	_ =	sdelay $0x3  }
0x1c3: {  	s21 =	sadd.s32 $0x1, s21  }
0x1c4: {  	p0 =	sne.s32 s21, s11  }
.Ltmp6:
0x1c5: {  	_ = 	snop;
	(pc) =	sbr.rel @p0 .LBB2_1-.Ltmp6, $4  }
0x1c6: {  	[hbm4b:s10+s12] =	stream.strided.scatter [tilespmem:s19], [sflag:$0x4], $0x4000, s13, s12, $0x38;
	[tilespmem:$0x1E700] =	vst v63  }
0x1c7: {  	_ =	swait.ge [sflag:s20], $0x4000  }
0x1c8: {  	[sflag:s20] =	ssyncset.done $0x0  }
0x1c9: {  	[sflag:s20] =	ssyncadd.s32 $0xFFFFC000  }
0x1ca: {  	_ =	sfence.sel $0x180000  }
0x1cb: {  	[bflag:$0x0] =	sbarrier.arrive $0xFFFF  }
0x1cc: {  	p0 =	sne.s32 s4, $0x0;
	_ =	strace $0x90000047  }
0x1cd: {  	s0 =	sadd.s32 @!p0 $0x100000, s0;
	[bflag:$0x2] =	sbarrier.arrive $0xFFFF  }
0x1ce: {  	[sflag:s0] =	ssyncadd.tile.s32 @!p0 $0x1;
	_ =	shalt  }
.Lfunc_end2:
_tile_overlayer_lowered:
.L_overlay_start_2:
0x1cf: {  	(tag) =	ssettag $0x2  }
0x1d0: {  	s0 =	rddreg [dreg:$0x0];
	s2 =	stileid.u32  }
0x1d1: {  	s1 =	rddreg [dreg:$0x1];
	p0 =	sne.s32 s2, $0x0  }
0x1d2: {  	s3 =	rddreg [dreg:$0x2];
	[bflag:$0x3] =	sbarrier.arrive $0xFFFF;
	s2 =	simm.s32 @!p0 $0x1C04  }
0x1d3: {  	[timem:s3], [sflag:s2] =	dma.local @!p0 [hbm:s0], s1  }
0x1d4: {  	s0 =	simm.s32 @!p0 $0x4  }
0x1d5: {  	_ =	swait.ge @!p0 [sflag:s0], s1  }
0x1d6: {  	s1 =	ssub.s32 @!p0 $0x0, s1;
	[sflag:s0] =	ssyncset.done @!p0 $0x0  }
0x1d7: {  	[sflag:s0] =	ssyncadd.s32 @!p0 s1  }
0x1d8: {  	[bflag:$0x3] =	sbarrier.arrive $0xFFFF  }
0x1d9: {  	_ =	shalt  }

</sc_bundles>
